<compile_context>
chip_gen: v7x
topology: tpu7x:2x2x1
jax: 0.10.2.dev20260603
libtpu: 0.0.44.dev20260713+nightly
codegen_flags: <defaults>
</compile_context>

<pallas_src>
import functools

import jax
import jax.numpy as jnp
from jax import lax
from jax.experimental import pallas as pl
from jax.experimental.pallas import tpu as pltpu
from jax.experimental.pallas import tpu_sc as plsc

D_MODEL = 128
CHUNK = 128
NBUF = 6
LOOKAHEAD = 4


def _gather_sc(table, idx3):
    NW, n_ch, CH = idx3.shape
    b_per_w = n_ch * CH
    B = NW * b_per_w
    info = plsc.get_sparse_core_info()
    NC = info.num_cores
    mesh = plsc.VectorSubcoreMesh(core_axis_name="c", subcore_axis_name="s")
    K = LOOKAHEAD
    assert K <= NBUF - 1 and n_ch > 2 * K and (n_ch - 2 * K) % NBUF == 0

    @functools.partial(
        pl.kernel,
        mesh=mesh,
        out_type=jax.ShapeDtypeStruct((B, D_MODEL), jnp.float32),
        scratch_types=[
            pltpu.VMEM((n_ch, CH), jnp.int32),
            pltpu.VMEM((NBUF, CH, D_MODEL), jnp.float32),
            pltpu.VMEM_SHARED(table.shape, jnp.float32),
            pltpu.SemaphoreType.DMA,
        ]
        + [pltpu.SemaphoreType.DMA] * (2 * NBUF),
    )
    def k(table_hbm, idx_hbm, out_hbm, idx_v, rows_v, tab_sh, tsem, *sems):
        gsems, osems = sems[:NBUF], sems[NBUF:]
        sid = lax.axis_index("s")
        wid = sid * NC + lax.axis_index("c")

        @pl.when(sid == 0)
        def _():
            pltpu.async_copy(table_hbm, tab_sh, tsem)

        pltpu.sync_copy(idx_hbm.at[wid], idx_v)

        @pl.when(sid == 0)
        def _():
            pltpu.make_async_copy(table_hbm, tab_sh, tsem).wait()

        plsc.subcore_barrier()

        base = wid * b_per_w

        def start_gather(j, b):
            pltpu.async_copy(tab_sh.at[idx_v.at[j]], rows_v.at[b], gsems[b])

        def wait_gather(j, b):
            pltpu.make_async_copy(
                tab_sh.at[idx_v.at[j]], rows_v.at[b], gsems[b]
            ).wait()

        def start_out(j, b):
            pltpu.async_copy(
                rows_v.at[b], out_hbm.at[pl.ds(base + j * CH, CH)], osems[b]
            )

        def wait_out(j, b):
            pltpu.make_async_copy(
                rows_v.at[b], out_hbm.at[pl.ds(base + j * CH, CH)], osems[b]
            ).wait()


        for j in range(K):
            start_gather(j, j % NBUF)
        for j in range(K):
            if j + K - NBUF >= 0:
                wait_out(j + K - NBUF, (j + K) % NBUF)
            start_gather(j + K, (j + K) % NBUF)
            wait_gather(j, j % NBUF)
            start_out(j, j % NBUF)

        def body(gg, carry):
            for p in range(NBUF):
                j = NBUF * gg + K + p
                bg = (K + p + K) % NBUF
                bj = (K + p) % NBUF
                wait_out(j + K - NBUF, bg)
                start_gather(j + K, bg)
                wait_gather(j, bj)
                start_out(j, bj)
            return carry

        lax.fori_loop(0, (n_ch - 2 * K) // NBUF, body, 0)

        for j in range(n_ch - K, n_ch):
            wait_out(j + K - NBUF, (j + K) % NBUF)
            wait_gather(j, j % NBUF)
            start_out(j, j % NBUF)
        for j in range(n_ch - NBUF + K, n_ch):
            wait_out(j, j % NBUF)

    return k(table, idx3)


def kernel(pos_seq, table):
    B4, S = pos_seq.shape
    B = B4 * S
    NW = 32
    idx3 = pos_seq.astype(jnp.int32).reshape(NW, (B // NW) // CHUNK, CHUNK)
    out = _gather_sc(table, idx3)
    return out.reshape(B4, S, D_MODEL)

# --- scband reference (transcript-rebuilt; emitter-appended) ---
"""Pipeline reference for scband-pos-embedding-56264071578082 (READ-ONLY COPY).

The authoritative reference and input builder live on the scoring server;
editing this copy changes nothing except your own understanding.
"""

import jax, jax.numpy as jnp
import numpy as np

MAXLEN = 200
D_MODEL = 128
PAD_IDX = 0


def _build_sinusoid_table(maxlen, d_model, pad_idx):
    # Faithful to the torch construction:
    # weights[pos, i] = pos / 10000**(2*i/d_model); sin on even cols, cos on odd cols.
    pos = np.arange(maxlen + 1, dtype=np.float64)[:, None]
    i = np.arange(d_model, dtype=np.float64)[None, :]
    w = pos / np.power(10000.0, 2.0 * i / d_model)
    w[:, 0::2] = np.sin(w[:, 0::2])
    w[:, 1::2] = np.cos(w[:, 1::2])
    if pad_idx is not None:
        w[pad_idx] = 0.0
    return jnp.asarray(w, dtype=jnp.float32)


def setup_inputs(seed: int = 0):
    key = jax.random.key(seed)
    pos_seq = jax.random.randint(key, (4096, 200), 0, 200)
    table = _build_sinusoid_table(MAXLEN, D_MODEL, PAD_IDX)
    return {"pos_seq": pos_seq, "table": table}


def reference(pos_seq, table):
    # nn.Embedding lookup -> row gather from the (frozen) sinusoid table
    return jnp.take(table, pos_seq, axis=0)

if __name__ == "__main__":
    import jax
    _d = setup_inputs()
    print(jax.jit(kernel)(*tuple(_d.values())))

</pallas_src>

<mosaic_0001>
#map = affine_map<(d0, d1) -> (0, 0)>
#map1 = affine_map<(d0, d1) -> (0, 0, 0)>
module attributes {stable_mosaic.version = 14 : i64} {
  func.func @k(%arg0: i32, %arg1: i32, %arg2: memref<201x128xf32, #tpu.memory_space<hbm>>, %arg3: memref<32x200x128xi32, #tpu.memory_space<hbm>>, %arg4: memref<819200x128xf32, #tpu.memory_space<hbm>>, %arg5: memref<200x128xi32, #tpu.memory_space<vmem>>, %arg6: memref<6x128x128xf32, #tpu.memory_space<vmem>>, %arg7: memref<201x128xf32, #tpu.memory_space<vmem_shared>>, %arg8: memref<!tpu.dma_semaphore, #tpu.memory_space<semaphore_mem>>, %arg9: memref<!tpu.dma_semaphore, #tpu.memory_space<semaphore_mem>>, %arg10: memref<!tpu.dma_semaphore, #tpu.memory_space<semaphore_mem>>, %arg11: memref<!tpu.dma_semaphore, #tpu.memory_space<semaphore_mem>>, %arg12: memref<!tpu.dma_semaphore, #tpu.memory_space<semaphore_mem>>, %arg13: memref<!tpu.dma_semaphore, #tpu.memory_space<semaphore_mem>>, %arg14: memref<!tpu.dma_semaphore, #tpu.memory_space<semaphore_mem>>, %arg15: memref<!tpu.dma_semaphore, #tpu.memory_space<semaphore_mem>>, %arg16: memref<!tpu.dma_semaphore, #tpu.memory_space<semaphore_mem>>, %arg17: memref<!tpu.dma_semaphore, #tpu.memory_space<semaphore_mem>>, %arg18: memref<!tpu.dma_semaphore, #tpu.memory_space<semaphore_mem>>, %arg19: memref<!tpu.dma_semaphore, #tpu.memory_space<semaphore_mem>>, %arg20: memref<!tpu.dma_semaphore, #tpu.memory_space<semaphore_mem>>) attributes {dimension_semantics = [#tpu.dimension_semantics<core_parallel>, #tpu.dimension_semantics<subcore_parallel>], iteration_bounds = array<i64: 2, 16>, scalar_prefetch = 0 : i64, scratch_operands = 16 : i64, tpu.core_type = #tpu.core_type<sc_vector_subcore>, window_params = [{transform_indices = #map}, {transform_indices = #map1}, {transform_indices = #map}]} {
    %mul3A = arith.constant 2 : i32
    %mul3A_0 = arith.muli %arg1, %mul3A : i32
    %add3A = arith.addi %mul3A_0, %arg0 : i32
    %eq3A = arith.constant 0 : i32
    %eq3A_1 = arith.cmpi eq, %arg1, %eq3A : i32
    %convert_element_type3A = arith.extui %eq3A_1 : i1 to i32
    %cond3A = arith.constant 0 : i32
    %cond3A_2 = arith.cmpi ne, %convert_element_type3A, %cond3A : i32
    scf.if %cond3A_2 {
      tpu.enqueue_dma source(%arg2 : memref<201x128xf32, #tpu.memory_space<hbm>>) target(%arg7 : memref<201x128xf32, #tpu.memory_space<vmem_shared>>) target_semaphore(%arg8 : memref<!tpu.dma_semaphore, #tpu.memory_space<semaphore_mem>>)
    } else {
    }
    "tpu.region"() ({
      %run_scoped3A = tpu.sem_alloc : memref<!tpu.dma_semaphore, #tpu.memory_space<semaphore_mem>>
      %dma_start3A_445 = arith.constant 0 : i32
      %dma_start3A_446 = arith.constant 0 : i32
      %dma_start3A_447 = tpu.memref_slice %arg3[%add3A, %dma_start3A_445, %dma_start3A_446] : memref<32x200x128xi32, #tpu.memory_space<hbm>> -> memref<1x200x128xi32, #tpu.memory_space<hbm>>
      %dma_start3A_448 = tpu.memref_squeeze %dma_start3A_447 : memref<1x200x128xi32, #tpu.memory_space<hbm>> -> memref<200x128xi32, #tpu.memory_space<hbm>>
      %dma_start3A_449 = arith.constant 0 : i32
      %dma_start3A_450 = arith.constant 0 : i32
      %dma_start3A_451 = tpu.memref_slice %arg3[%add3A, %dma_start3A_449, %dma_start3A_450] : memref<32x200x128xi32, #tpu.memory_space<hbm>> -> memref<1x200x128xi32, #tpu.memory_space<hbm>>
      %dma_start3A_452 = tpu.memref_squeeze %dma_start3A_451 : memref<1x200x128xi32, #tpu.memory_space<hbm>> -> memref<200x128xi32, #tpu.memory_space<hbm>>
      tpu.enqueue_dma source(%dma_start3A_452 : memref<200x128xi32, #tpu.memory_space<hbm>>) target(%arg5 : memref<200x128xi32, #tpu.memory_space<vmem>>) target_semaphore(%run_scoped3A : memref<!tpu.dma_semaphore, #tpu.memory_space<semaphore_mem>>)
      %dma_wait3A_453 = arith.constant 0 : i32
      %dma_wait3A_454 = arith.constant 0 : i32
      %dma_wait3A_455 = tpu.memref_slice %arg3[%add3A, %dma_wait3A_453, %dma_wait3A_454] : memref<32x200x128xi32, #tpu.memory_space<hbm>> -> memref<1x200x128xi32, #tpu.memory_space<hbm>>
      %dma_wait3A_456 = tpu.memref_squeeze %dma_wait3A_455 : memref<1x200x128xi32, #tpu.memory_space<hbm>> -> memref<200x128xi32, #tpu.memory_space<hbm>>
      %dma_wait3A_457 = arith.constant 0 : i32
      %dma_wait3A_458 = arith.constant 0 : i32
      %dma_wait3A_459 = tpu.memref_slice %arg3[%add3A, %dma_wait3A_457, %dma_wait3A_458] : memref<32x200x128xi32, #tpu.memory_space<hbm>> -> memref<1x200x128xi32, #tpu.memory_space<hbm>>
      %dma_wait3A_460 = tpu.memref_squeeze %dma_wait3A_459 : memref<1x200x128xi32, #tpu.memory_space<hbm>> -> memref<200x128xi32, #tpu.memory_space<hbm>>
      tpu.wait_dma2 semaphore(%run_scoped3A : memref<!tpu.dma_semaphore, #tpu.memory_space<semaphore_mem>>) src(%dma_wait3A_460 : memref<200x128xi32, #tpu.memory_space<hbm>>) dst(%arg5 : memref<200x128xi32, #tpu.memory_space<vmem>>)
      tpu.yield
    }) : () -> ()
    %eq3A_3 = arith.constant 0 : i32
    %eq3A_4 = arith.cmpi eq, %arg1, %eq3A_3 : i32
    %convert_element_type3A_5 = arith.extui %eq3A_4 : i1 to i32
    %cond3A_6 = arith.constant 0 : i32
    %cond3A_7 = arith.cmpi ne, %convert_element_type3A_5, %cond3A_6 : i32
    scf.if %cond3A_7 {
      tpu.wait_dma2 semaphore(%arg8 : memref<!tpu.dma_semaphore, #tpu.memory_space<semaphore_mem>>) src(%arg2 : memref<201x128xf32, #tpu.memory_space<hbm>>) dst(%arg7 : memref<201x128xf32, #tpu.memory_space<vmem_shared>>)
    } else {
    }
    %barrier3A = arith.constant 0 : index
    tpu.barrier barrier_id(%barrier3A)
    %mul3A_8 = arith.constant 25600 : i32
    %mul3A_9 = arith.muli %add3A, %mul3A_8 : i32
    %dma_start3A = arith.constant 0 : i32
    %dma_start3A_10 = arith.constant 0 : i32
    %dma_start3A_11 = arith.constant 0 : i32
    %dma_start3A_12 = arith.constant 0 : i32
    %dma_start3A_13 = tpu.memref_slice %arg6[%dma_start3A_10, %dma_start3A_11, %dma_start3A_12] : memref<6x128x128xf32, #tpu.memory_space<vmem>> -> memref<1x128x128xf32, #tpu.memory_space<vmem>>
    %dma_start3A_14 = tpu.memref_squeeze %dma_start3A_13 : memref<1x128x128xf32, #tpu.memory_space<vmem>> -> memref<128x128xf32, #tpu.memory_space<vmem>>
    %dma_start3A_15 = arith.constant 0 : i32
    %dma_start3A_16 = tpu.memref_slice %arg5[%dma_start3A, %dma_start3A_15] : memref<200x128xi32, #tpu.memory_space<vmem>> -> memref<1x128xi32, #tpu.memory_space<vmem>>
    %dma_start3A_17 = tpu.memref_squeeze %dma_start3A_16 : memref<1x128xi32, #tpu.memory_space<vmem>> -> memref<128xi32, #tpu.memory_space<vmem>>
    %dma_start3A_18 = arith.constant 0 : i32
    %dma_start3A_19 = arith.constant 0 : i32
    %dma_start3A_20 = tpu.memref_slice %arg7[%dma_start3A_18, %dma_start3A_19] : memref<201x128xf32, #tpu.memory_space<vmem_shared>> -> memref<201x128xf32, #tpu.memory_space<vmem_shared>>
    tpu.enqueue_indirect_dma source(%dma_start3A_20 : memref<201x128xf32, #tpu.memory_space<vmem_shared>>) target(%dma_start3A_14 : memref<128x128xf32, #tpu.memory_space<vmem>>) offsets(%dma_start3A_17 : memref<128xi32, #tpu.memory_space<vmem>>) semaphore(%arg9 : memref<!tpu.dma_semaphore, #tpu.memory_space<semaphore_mem>>)
    %dma_start3A_21 = arith.constant 1 : i32
    %dma_start3A_22 = arith.constant 1 : i32
    %dma_start3A_23 = arith.constant 0 : i32
    %dma_start3A_24 = arith.constant 0 : i32
    %dma_start3A_25 = tpu.memref_slice %arg6[%dma_start3A_22, %dma_start3A_23, %dma_start3A_24] : memref<6x128x128xf32, #tpu.memory_space<vmem>> -> memref<1x128x128xf32, #tpu.memory_space<vmem>>
    %dma_start3A_26 = tpu.memref_squeeze %dma_start3A_25 : memref<1x128x128xf32, #tpu.memory_space<vmem>> -> memref<128x128xf32, #tpu.memory_space<vmem>>
    %dma_start3A_27 = arith.constant 0 : i32
    %dma_start3A_28 = tpu.memref_slice %arg5[%dma_start3A_21, %dma_start3A_27] : memref<200x128xi32, #tpu.memory_space<vmem>> -> memref<1x128xi32, #tpu.memory_space<vmem>>
    %dma_start3A_29 = tpu.memref_squeeze %dma_start3A_28 : memref<1x128xi32, #tpu.memory_space<vmem>> -> memref<128xi32, #tpu.memory_space<vmem>>
    %dma_start3A_30 = arith.constant 0 : i32
    %dma_start3A_31 = arith.constant 0 : i32
    %dma_start3A_32 = tpu.memref_slice %arg7[%dma_start3A_30, %dma_start3A_31] : memref<201x128xf32, #tpu.memory_space<vmem_shared>> -> memref<201x128xf32, #tpu.memory_space<vmem_shared>>
    tpu.enqueue_indirect_dma source(%dma_start3A_32 : memref<201x128xf32, #tpu.memory_space<vmem_shared>>) target(%dma_start3A_26 : memref<128x128xf32, #tpu.memory_space<vmem>>) offsets(%dma_start3A_29 : memref<128xi32, #tpu.memory_space<vmem>>) semaphore(%arg10 : memref<!tpu.dma_semaphore, #tpu.memory_space<semaphore_mem>>)
    %dma_start3A_33 = arith.constant 2 : i32
    %dma_start3A_34 = arith.constant 2 : i32
    %dma_start3A_35 = arith.constant 0 : i32
    %dma_start3A_36 = arith.constant 0 : i32
    %dma_start3A_37 = tpu.memref_slice %arg6[%dma_start3A_34, %dma_start3A_35, %dma_start3A_36] : memref<6x128x128xf32, #tpu.memory_space<vmem>> -> memref<1x128x128xf32, #tpu.memory_space<vmem>>
    %dma_start3A_38 = tpu.memref_squeeze %dma_start3A_37 : memref<1x128x128xf32, #tpu.memory_space<vmem>> -> memref<128x128xf32, #tpu.memory_space<vmem>>
    %dma_start3A_39 = arith.constant 0 : i32
    %dma_start3A_40 = tpu.memref_slice %arg5[%dma_start3A_33, %dma_start3A_39] : memref<200x128xi32, #tpu.memory_space<vmem>> -> memref<1x128xi32, #tpu.memory_space<vmem>>
    %dma_start3A_41 = tpu.memref_squeeze %dma_start3A_40 : memref<1x128xi32, #tpu.memory_space<vmem>> -> memref<128xi32, #tpu.memory_space<vmem>>
    %dma_start3A_42 = arith.constant 0 : i32
    %dma_start3A_43 = arith.constant 0 : i32
    %dma_start3A_44 = tpu.memref_slice %arg7[%dma_start3A_42, %dma_start3A_43] : memref<201x128xf32, #tpu.memory_space<vmem_shared>> -> memref<201x128xf32, #tpu.memory_space<vmem_shared>>
    tpu.enqueue_indirect_dma source(%dma_start3A_44 : memref<201x128xf32, #tpu.memory_space<vmem_shared>>) target(%dma_start3A_38 : memref<128x128xf32, #tpu.memory_space<vmem>>) offsets(%dma_start3A_41 : memref<128xi32, #tpu.memory_space<vmem>>) semaphore(%arg11 : memref<!tpu.dma_semaphore, #tpu.memory_space<semaphore_mem>>)
    %dma_start3A_45 = arith.constant 3 : i32
    %dma_start3A_46 = arith.constant 3 : i32
    %dma_start3A_47 = arith.constant 0 : i32
    %dma_start3A_48 = arith.constant 0 : i32
    %dma_start3A_49 = tpu.memref_slice %arg6[%dma_start3A_46, %dma_start3A_47, %dma_start3A_48] : memref<6x128x128xf32, #tpu.memory_space<vmem>> -> memref<1x128x128xf32, #tpu.memory_space<vmem>>
    %dma_start3A_50 = tpu.memref_squeeze %dma_start3A_49 : memref<1x128x128xf32, #tpu.memory_space<vmem>> -> memref<128x128xf32, #tpu.memory_space<vmem>>
    %dma_start3A_51 = arith.constant 0 : i32
    %dma_start3A_52 = tpu.memref_slice %arg5[%dma_start3A_45, %dma_start3A_51] : memref<200x128xi32, #tpu.memory_space<vmem>> -> memref<1x128xi32, #tpu.memory_space<vmem>>
    %dma_start3A_53 = tpu.memref_squeeze %dma_start3A_52 : memref<1x128xi32, #tpu.memory_space<vmem>> -> memref<128xi32, #tpu.memory_space<vmem>>
    %dma_start3A_54 = arith.constant 0 : i32
    %dma_start3A_55 = arith.constant 0 : i32
    %dma_start3A_56 = tpu.memref_slice %arg7[%dma_start3A_54, %dma_start3A_55] : memref<201x128xf32, #tpu.memory_space<vmem_shared>> -> memref<201x128xf32, #tpu.memory_space<vmem_shared>>
    tpu.enqueue_indirect_dma source(%dma_start3A_56 : memref<201x128xf32, #tpu.memory_space<vmem_shared>>) target(%dma_start3A_50 : memref<128x128xf32, #tpu.memory_space<vmem>>) offsets(%dma_start3A_53 : memref<128xi32, #tpu.memory_space<vmem>>) semaphore(%arg12 : memref<!tpu.dma_semaphore, #tpu.memory_space<semaphore_mem>>)
    %dma_start3A_57 = arith.constant 4 : i32
    %dma_start3A_58 = arith.constant 4 : i32
    %dma_start3A_59 = arith.constant 0 : i32
    %dma_start3A_60 = arith.constant 0 : i32
    %dma_start3A_61 = tpu.memref_slice %arg6[%dma_start3A_58, %dma_start3A_59, %dma_start3A_60] : memref<6x128x128xf32, #tpu.memory_space<vmem>> -> memref<1x128x128xf32, #tpu.memory_space<vmem>>
    %dma_start3A_62 = tpu.memref_squeeze %dma_start3A_61 : memref<1x128x128xf32, #tpu.memory_space<vmem>> -> memref<128x128xf32, #tpu.memory_space<vmem>>
    %dma_start3A_63 = arith.constant 0 : i32
    %dma_start3A_64 = tpu.memref_slice %arg5[%dma_start3A_57, %dma_start3A_63] : memref<200x128xi32, #tpu.memory_space<vmem>> -> memref<1x128xi32, #tpu.memory_space<vmem>>
    %dma_start3A_65 = tpu.memref_squeeze %dma_start3A_64 : memref<1x128xi32, #tpu.memory_space<vmem>> -> memref<128xi32, #tpu.memory_space<vmem>>
    %dma_start3A_66 = arith.constant 0 : i32
    %dma_start3A_67 = arith.constant 0 : i32
    %dma_start3A_68 = tpu.memref_slice %arg7[%dma_start3A_66, %dma_start3A_67] : memref<201x128xf32, #tpu.memory_space<vmem_shared>> -> memref<201x128xf32, #tpu.memory_space<vmem_shared>>
    tpu.enqueue_indirect_dma source(%dma_start3A_68 : memref<201x128xf32, #tpu.memory_space<vmem_shared>>) target(%dma_start3A_62 : memref<128x128xf32, #tpu.memory_space<vmem>>) offsets(%dma_start3A_65 : memref<128xi32, #tpu.memory_space<vmem>>) semaphore(%arg13 : memref<!tpu.dma_semaphore, #tpu.memory_space<semaphore_mem>>)
    %dma_wait3A = arith.constant 0 : i32
    %dma_wait3A_69 = arith.constant 0 : i32
    %dma_wait3A_70 = arith.constant 0 : i32
    %dma_wait3A_71 = arith.constant 0 : i32
    %dma_wait3A_72 = tpu.memref_slice %arg6[%dma_wait3A_69, %dma_wait3A_70, %dma_wait3A_71] : memref<6x128x128xf32, #tpu.memory_space<vmem>> -> memref<1x128x128xf32, #tpu.memory_space<vmem>>
    %dma_wait3A_73 = tpu.memref_squeeze %dma_wait3A_72 : memref<1x128x128xf32, #tpu.memory_space<vmem>> -> memref<128x128xf32, #tpu.memory_space<vmem>>
    %dma_wait3A_74 = arith.constant 0 : i32
    %dma_wait3A_75 = tpu.memref_slice %arg5[%dma_wait3A, %dma_wait3A_74] : memref<200x128xi32, #tpu.memory_space<vmem>> -> memref<1x128xi32, #tpu.memory_space<vmem>>
    %dma_wait3A_76 = tpu.memref_squeeze %dma_wait3A_75 : memref<1x128xi32, #tpu.memory_space<vmem>> -> memref<128xi32, #tpu.memory_space<vmem>>
    %dma_wait3A_77 = arith.constant 0 : i32
    %dma_wait3A_78 = arith.constant 0 : i32
    %dma_wait3A_79 = tpu.memref_slice %arg7[%dma_wait3A_77, %dma_wait3A_78] : memref<201x128xf32, #tpu.memory_space<vmem_shared>> -> memref<201x128xf32, #tpu.memory_space<vmem_shared>>
    tpu.wait_indirect_dma semaphore(%arg9 : memref<!tpu.dma_semaphore, #tpu.memory_space<semaphore_mem>>) src(%dma_wait3A_79 : memref<201x128xf32, #tpu.memory_space<vmem_shared>>) dst(%dma_wait3A_73 : memref<128x128xf32, #tpu.memory_space<vmem>>)
    %add3A_80 = arith.constant 0 : i32
    %add3A_81 = arith.addi %mul3A_9, %add3A_80 : i32
    %dma_start3A_82 = arith.constant 0 : i32
    %dma_start3A_83 = arith.constant 0 : i32
    %dma_start3A_84 = arith.constant 0 : i32
    %dma_start3A_85 = tpu.memref_slice %arg6[%dma_start3A_82, %dma_start3A_83, %dma_start3A_84] : memref<6x128x128xf32, #tpu.memory_space<vmem>> -> memref<1x128x128xf32, #tpu.memory_space<vmem>>
    %dma_start3A_86 = tpu.memref_squeeze %dma_start3A_85 : memref<1x128x128xf32, #tpu.memory_space<vmem>> -> memref<128x128xf32, #tpu.memory_space<vmem>>
    %dma_start3A_87 = arith.constant 0 : i32
    %dma_start3A_88 = tpu.memref_slice %arg4[%add3A_81, %dma_start3A_87] : memref<819200x128xf32, #tpu.memory_space<hbm>> -> memref<128x128xf32, #tpu.memory_space<hbm>>
    %dma_start3A_89 = arith.constant 0 : i32
    %dma_start3A_90 = tpu.memref_slice %arg4[%add3A_81, %dma_start3A_89] : memref<819200x128xf32, #tpu.memory_space<hbm>> -> memref<128x128xf32, #tpu.memory_space<hbm>>
    %dma_start3A_91 = arith.constant 0 : i32
    %dma_start3A_92 = arith.constant 0 : i32
    %dma_start3A_93 = tpu.memref_slice %arg6[%dma_start3A_82, %dma_start3A_91, %dma_start3A_92] : memref<6x128x128xf32, #tpu.memory_space<vmem>> -> memref<1x128x128xf32, #tpu.memory_space<vmem>>
    %dma_start3A_94 = tpu.memref_squeeze %dma_start3A_93 : memref<1x128x128xf32, #tpu.memory_space<vmem>> -> memref<128x128xf32, #tpu.memory_space<vmem>>
    tpu.enqueue_dma source(%dma_start3A_94 : memref<128x128xf32, #tpu.memory_space<vmem>>) target(%dma_start3A_90 : memref<128x128xf32, #tpu.memory_space<hbm>>) target_semaphore(%arg15 : memref<!tpu.dma_semaphore, #tpu.memory_space<semaphore_mem>>)
    %dma_start3A_95 = arith.constant 5 : i32
    %dma_start3A_96 = arith.constant 5 : i32
    %dma_start3A_97 = arith.constant 0 : i32
    %dma_start3A_98 = arith.constant 0 : i32
    %dma_start3A_99 = tpu.memref_slice %arg6[%dma_start3A_96, %dma_start3A_97, %dma_start3A_98] : memref<6x128x128xf32, #tpu.memory_space<vmem>> -> memref<1x128x128xf32, #tpu.memory_space<vmem>>
    %dma_start3A_100 = tpu.memref_squeeze %dma_start3A_99 : memref<1x128x128xf32, #tpu.memory_space<vmem>> -> memref<128x128xf32, #tpu.memory_space<vmem>>
    %dma_start3A_101 = arith.constant 0 : i32
    %dma_start3A_102 = tpu.memref_slice %arg5[%dma_start3A_95, %dma_start3A_101] : memref<200x128xi32, #tpu.memory_space<vmem>> -> memref<1x128xi32, #tpu.memory_space<vmem>>
    %dma_start3A_103 = tpu.memref_squeeze %dma_start3A_102 : memref<1x128xi32, #tpu.memory_space<vmem>> -> memref<128xi32, #tpu.memory_space<vmem>>
    %dma_start3A_104 = arith.constant 0 : i32
    %dma_start3A_105 = arith.constant 0 : i32
    %dma_start3A_106 = tpu.memref_slice %arg7[%dma_start3A_104, %dma_start3A_105] : memref<201x128xf32, #tpu.memory_space<vmem_shared>> -> memref<201x128xf32, #tpu.memory_space<vmem_shared>>
    tpu.enqueue_indirect_dma source(%dma_start3A_106 : memref<201x128xf32, #tpu.memory_space<vmem_shared>>) target(%dma_start3A_100 : memref<128x128xf32, #tpu.memory_space<vmem>>) offsets(%dma_start3A_103 : memref<128xi32, #tpu.memory_space<vmem>>) semaphore(%arg14 : memref<!tpu.dma_semaphore, #tpu.memory_space<semaphore_mem>>)
    %dma_wait3A_107 = arith.constant 1 : i32
    %dma_wait3A_108 = arith.constant 1 : i32
    %dma_wait3A_109 = arith.constant 0 : i32
    %dma_wait3A_110 = arith.constant 0 : i32
    %dma_wait3A_111 = tpu.memref_slice %arg6[%dma_wait3A_108, %dma_wait3A_109, %dma_wait3A_110] : memref<6x128x128xf32, #tpu.memory_space<vmem>> -> memref<1x128x128xf32, #tpu.memory_space<vmem>>
    %dma_wait3A_112 = tpu.memref_squeeze %dma_wait3A_111 : memref<1x128x128xf32, #tpu.memory_space<vmem>> -> memref<128x128xf32, #tpu.memory_space<vmem>>
    %dma_wait3A_113 = arith.constant 0 : i32
    %dma_wait3A_114 = tpu.memref_slice %arg5[%dma_wait3A_107, %dma_wait3A_113] : memref<200x128xi32, #tpu.memory_space<vmem>> -> memref<1x128xi32, #tpu.memory_space<vmem>>
    %dma_wait3A_115 = tpu.memref_squeeze %dma_wait3A_114 : memref<1x128xi32, #tpu.memory_space<vmem>> -> memref<128xi32, #tpu.memory_space<vmem>>
    %dma_wait3A_116 = arith.constant 0 : i32
    %dma_wait3A_117 = arith.constant 0 : i32
    %dma_wait3A_118 = tpu.memref_slice %arg7[%dma_wait3A_116, %dma_wait3A_117] : memref<201x128xf32, #tpu.memory_space<vmem_shared>> -> memref<201x128xf32, #tpu.memory_space<vmem_shared>>
    tpu.wait_indirect_dma semaphore(%arg10 : memref<!tpu.dma_semaphore, #tpu.memory_space<semaphore_mem>>) src(%dma_wait3A_118 : memref<201x128xf32, #tpu.memory_space<vmem_shared>>) dst(%dma_wait3A_112 : memref<128x128xf32, #tpu.memory_space<vmem>>)
    %add3A_119 = arith.constant 128 : i32
    %add3A_120 = arith.addi %mul3A_9, %add3A_119 : i32
    %dma_start3A_121 = arith.constant 1 : i32
    %dma_start3A_122 = arith.constant 0 : i32
    %dma_start3A_123 = arith.constant 0 : i32
    %dma_start3A_124 = tpu.memref_slice %arg6[%dma_start3A_121, %dma_start3A_122, %dma_start3A_123] : memref<6x128x128xf32, #tpu.memory_space<vmem>> -> memref<1x128x128xf32, #tpu.memory_space<vmem>>
    %dma_start3A_125 = tpu.memref_squeeze %dma_start3A_124 : memref<1x128x128xf32, #tpu.memory_space<vmem>> -> memref<128x128xf32, #tpu.memory_space<vmem>>
    %dma_start3A_126 = arith.constant 0 : i32
    %dma_start3A_127 = tpu.memref_slice %arg4[%add3A_120, %dma_start3A_126] : memref<819200x128xf32, #tpu.memory_space<hbm>> -> memref<128x128xf32, #tpu.memory_space<hbm>>
    %dma_start3A_128 = arith.constant 0 : i32
    %dma_start3A_129 = tpu.memref_slice %arg4[%add3A_120, %dma_start3A_128] : memref<819200x128xf32, #tpu.memory_space<hbm>> -> memref<128x128xf32, #tpu.memory_space<hbm>>
    %dma_start3A_130 = arith.constant 0 : i32
    %dma_start3A_131 = arith.constant 0 : i32
    %dma_start3A_132 = tpu.memref_slice %arg6[%dma_start3A_121, %dma_start3A_130, %dma_start3A_131] : memref<6x128x128xf32, #tpu.memory_space<vmem>> -> memref<1x128x128xf32, #tpu.memory_space<vmem>>
    %dma_start3A_133 = tpu.memref_squeeze %dma_start3A_132 : memref<1x128x128xf32, #tpu.memory_space<vmem>> -> memref<128x128xf32, #tpu.memory_space<vmem>>
    tpu.enqueue_dma source(%dma_start3A_133 : memref<128x128xf32, #tpu.memory_space<vmem>>) target(%dma_start3A_129 : memref<128x128xf32, #tpu.memory_space<hbm>>) target_semaphore(%arg16 : memref<!tpu.dma_semaphore, #tpu.memory_space<semaphore_mem>>)
    %add3A_134 = arith.constant 0 : i32
    %add3A_135 = arith.addi %mul3A_9, %add3A_134 : i32
    %dma_wait3A_136 = arith.constant 0 : i32
    %dma_wait3A_137 = arith.constant 0 : i32
    %dma_wait3A_138 = arith.constant 0 : i32
    %dma_wait3A_139 = tpu.memref_slice %arg6[%dma_wait3A_136, %dma_wait3A_137, %dma_wait3A_138] : memref<6x128x128xf32, #tpu.memory_space<vmem>> -> memref<1x128x128xf32, #tpu.memory_space<vmem>>
    %dma_wait3A_140 = tpu.memref_squeeze %dma_wait3A_139 : memref<1x128x128xf32, #tpu.memory_space<vmem>> -> memref<128x128xf32, #tpu.memory_space<vmem>>
    %dma_wait3A_141 = arith.constant 0 : i32
    %dma_wait3A_142 = tpu.memref_slice %arg4[%add3A_135, %dma_wait3A_141] : memref<819200x128xf32, #tpu.memory_space<hbm>> -> memref<128x128xf32, #tpu.memory_space<hbm>>
    %dma_wait3A_143 = arith.constant 0 : i32
    %dma_wait3A_144 = tpu.memref_slice %arg4[%add3A_135, %dma_wait3A_143] : memref<819200x128xf32, #tpu.memory_space<hbm>> -> memref<128x128xf32, #tpu.memory_space<hbm>>
    %dma_wait3A_145 = arith.constant 0 : i32
    %dma_wait3A_146 = arith.constant 0 : i32
    %dma_wait3A_147 = tpu.memref_slice %arg6[%dma_wait3A_136, %dma_wait3A_145, %dma_wait3A_146] : memref<6x128x128xf32, #tpu.memory_space<vmem>> -> memref<1x128x128xf32, #tpu.memory_space<vmem>>
    %dma_wait3A_148 = tpu.memref_squeeze %dma_wait3A_147 : memref<1x128x128xf32, #tpu.memory_space<vmem>> -> memref<128x128xf32, #tpu.memory_space<vmem>>
    tpu.wait_dma2 semaphore(%arg15 : memref<!tpu.dma_semaphore, #tpu.memory_space<semaphore_mem>>) src(%dma_wait3A_148 : memref<128x128xf32, #tpu.memory_space<vmem>>) dst(%dma_wait3A_144 : memref<128x128xf32, #tpu.memory_space<hbm>>)
    %dma_start3A_149 = arith.constant 6 : i32
    %dma_start3A_150 = arith.constant 0 : i32
    %dma_start3A_151 = arith.constant 0 : i32
    %dma_start3A_152 = arith.constant 0 : i32
    %dma_start3A_153 = tpu.memref_slice %arg6[%dma_start3A_150, %dma_start3A_151, %dma_start3A_152] : memref<6x128x128xf32, #tpu.memory_space<vmem>> -> memref<1x128x128xf32, #tpu.memory_space<vmem>>
    %dma_start3A_154 = tpu.memref_squeeze %dma_start3A_153 : memref<1x128x128xf32, #tpu.memory_space<vmem>> -> memref<128x128xf32, #tpu.memory_space<vmem>>
    %dma_start3A_155 = arith.constant 0 : i32
    %dma_start3A_156 = tpu.memref_slice %arg5[%dma_start3A_149, %dma_start3A_155] : memref<200x128xi32, #tpu.memory_space<vmem>> -> memref<1x128xi32, #tpu.memory_space<vmem>>
    %dma_start3A_157 = tpu.memref_squeeze %dma_start3A_156 : memref<1x128xi32, #tpu.memory_space<vmem>> -> memref<128xi32, #tpu.memory_space<vmem>>
    %dma_start3A_158 = arith.constant 0 : i32
    %dma_start3A_159 = arith.constant 0 : i32
    %dma_start3A_160 = tpu.memref_slice %arg7[%dma_start3A_158, %dma_start3A_159] : memref<201x128xf32, #tpu.memory_space<vmem_shared>> -> memref<201x128xf32, #tpu.memory_space<vmem_shared>>
    tpu.enqueue_indirect_dma source(%dma_start3A_160 : memref<201x128xf32, #tpu.memory_space<vmem_shared>>) target(%dma_start3A_154 : memref<128x128xf32, #tpu.memory_space<vmem>>) offsets(%dma_start3A_157 : memref<128xi32, #tpu.memory_space<vmem>>) semaphore(%arg9 : memref<!tpu.dma_semaphore, #tpu.memory_space<semaphore_mem>>)
    %dma_wait3A_161 = arith.constant 2 : i32
    %dma_wait3A_162 = arith.constant 2 : i32
    %dma_wait3A_163 = arith.constant 0 : i32
    %dma_wait3A_164 = arith.constant 0 : i32
    %dma_wait3A_165 = tpu.memref_slice %arg6[%dma_wait3A_162, %dma_wait3A_163, %dma_wait3A_164] : memref<6x128x128xf32, #tpu.memory_space<vmem>> -> memref<1x128x128xf32, #tpu.memory_space<vmem>>
    %dma_wait3A_166 = tpu.memref_squeeze %dma_wait3A_165 : memref<1x128x128xf32, #tpu.memory_space<vmem>> -> memref<128x128xf32, #tpu.memory_space<vmem>>
    %dma_wait3A_167 = arith.constant 0 : i32
    %dma_wait3A_168 = tpu.memref_slice %arg5[%dma_wait3A_161, %dma_wait3A_167] : memref<200x128xi32, #tpu.memory_space<vmem>> -> memref<1x128xi32, #tpu.memory_space<vmem>>
    %dma_wait3A_169 = tpu.memref_squeeze %dma_wait3A_168 : memref<1x128xi32, #tpu.memory_space<vmem>> -> memref<128xi32, #tpu.memory_space<vmem>>
    %dma_wait3A_170 = arith.constant 0 : i32
    %dma_wait3A_171 = arith.constant 0 : i32
    %dma_wait3A_172 = tpu.memref_slice %arg7[%dma_wait3A_170, %dma_wait3A_171] : memref<201x128xf32, #tpu.memory_space<vmem_shared>> -> memref<201x128xf32, #tpu.memory_space<vmem_shared>>
    tpu.wait_indirect_dma semaphore(%arg11 : memref<!tpu.dma_semaphore, #tpu.memory_space<semaphore_mem>>) src(%dma_wait3A_172 : memref<201x128xf32, #tpu.memory_space<vmem_shared>>) dst(%dma_wait3A_166 : memref<128x128xf32, #tpu.memory_space<vmem>>)
    %add3A_173 = arith.constant 256 : i32
    %add3A_174 = arith.addi %mul3A_9, %add3A_173 : i32
    %dma_start3A_175 = arith.constant 2 : i32
    %dma_start3A_176 = arith.constant 0 : i32
    %dma_start3A_177 = arith.constant 0 : i32
    %dma_start3A_178 = tpu.memref_slice %arg6[%dma_start3A_175, %dma_start3A_176, %dma_start3A_177] : memref<6x128x128xf32, #tpu.memory_space<vmem>> -> memref<1x128x128xf32, #tpu.memory_space<vmem>>
    %dma_start3A_179 = tpu.memref_squeeze %dma_start3A_178 : memref<1x128x128xf32, #tpu.memory_space<vmem>> -> memref<128x128xf32, #tpu.memory_space<vmem>>
    %dma_start3A_180 = arith.constant 0 : i32
    %dma_start3A_181 = tpu.memref_slice %arg4[%add3A_174, %dma_start3A_180] : memref<819200x128xf32, #tpu.memory_space<hbm>> -> memref<128x128xf32, #tpu.memory_space<hbm>>
    %dma_start3A_182 = arith.constant 0 : i32
    %dma_start3A_183 = tpu.memref_slice %arg4[%add3A_174, %dma_start3A_182] : memref<819200x128xf32, #tpu.memory_space<hbm>> -> memref<128x128xf32, #tpu.memory_space<hbm>>
    %dma_start3A_184 = arith.constant 0 : i32
    %dma_start3A_185 = arith.constant 0 : i32
    %dma_start3A_186 = tpu.memref_slice %arg6[%dma_start3A_175, %dma_start3A_184, %dma_start3A_185] : memref<6x128x128xf32, #tpu.memory_space<vmem>> -> memref<1x128x128xf32, #tpu.memory_space<vmem>>
    %dma_start3A_187 = tpu.memref_squeeze %dma_start3A_186 : memref<1x128x128xf32, #tpu.memory_space<vmem>> -> memref<128x128xf32, #tpu.memory_space<vmem>>
    tpu.enqueue_dma source(%dma_start3A_187 : memref<128x128xf32, #tpu.memory_space<vmem>>) target(%dma_start3A_183 : memref<128x128xf32, #tpu.memory_space<hbm>>) target_semaphore(%arg17 : memref<!tpu.dma_semaphore, #tpu.memory_space<semaphore_mem>>)
    %add3A_188 = arith.constant 128 : i32
    %add3A_189 = arith.addi %mul3A_9, %add3A_188 : i32
    %dma_wait3A_190 = arith.constant 1 : i32
    %dma_wait3A_191 = arith.constant 0 : i32
    %dma_wait3A_192 = arith.constant 0 : i32
    %dma_wait3A_193 = tpu.memref_slice %arg6[%dma_wait3A_190, %dma_wait3A_191, %dma_wait3A_192] : memref<6x128x128xf32, #tpu.memory_space<vmem>> -> memref<1x128x128xf32, #tpu.memory_space<vmem>>
    %dma_wait3A_194 = tpu.memref_squeeze %dma_wait3A_193 : memref<1x128x128xf32, #tpu.memory_space<vmem>> -> memref<128x128xf32, #tpu.memory_space<vmem>>
    %dma_wait3A_195 = arith.constant 0 : i32
    %dma_wait3A_196 = tpu.memref_slice %arg4[%add3A_189, %dma_wait3A_195] : memref<819200x128xf32, #tpu.memory_space<hbm>> -> memref<128x128xf32, #tpu.memory_space<hbm>>
    %dma_wait3A_197 = arith.constant 0 : i32
    %dma_wait3A_198 = tpu.memref_slice %arg4[%add3A_189, %dma_wait3A_197] : memref<819200x128xf32, #tpu.memory_space<hbm>> -> memref<128x128xf32, #tpu.memory_space<hbm>>
    %dma_wait3A_199 = arith.constant 0 : i32
    %dma_wait3A_200 = arith.constant 0 : i32
    %dma_wait3A_201 = tpu.memref_slice %arg6[%dma_wait3A_190, %dma_wait3A_199, %dma_wait3A_200] : memref<6x128x128xf32, #tpu.memory_space<vmem>> -> memref<1x128x128xf32, #tpu.memory_space<vmem>>
    %dma_wait3A_202 = tpu.memref_squeeze %dma_wait3A_201 : memref<1x128x128xf32, #tpu.memory_space<vmem>> -> memref<128x128xf32, #tpu.memory_space<vmem>>
    tpu.wait_dma2 semaphore(%arg16 : memref<!tpu.dma_semaphore, #tpu.memory_space<semaphore_mem>>) src(%dma_wait3A_202 : memref<128x128xf32, #tpu.memory_space<vmem>>) dst(%dma_wait3A_198 : memref<128x128xf32, #tpu.memory_space<hbm>>)
    %dma_start3A_203 = arith.constant 7 : i32
    %dma_start3A_204 = arith.constant 1 : i32
    %dma_start3A_205 = arith.constant 0 : i32
    %dma_start3A_206 = arith.constant 0 : i32
    %dma_start3A_207 = tpu.memref_slice %arg6[%dma_start3A_204, %dma_start3A_205, %dma_start3A_206] : memref<6x128x128xf32, #tpu.memory_space<vmem>> -> memref<1x128x128xf32, #tpu.memory_space<vmem>>
    %dma_start3A_208 = tpu.memref_squeeze %dma_start3A_207 : memref<1x128x128xf32, #tpu.memory_space<vmem>> -> memref<128x128xf32, #tpu.memory_space<vmem>>
    %dma_start3A_209 = arith.constant 0 : i32
    %dma_start3A_210 = tpu.memref_slice %arg5[%dma_start3A_203, %dma_start3A_209] : memref<200x128xi32, #tpu.memory_space<vmem>> -> memref<1x128xi32, #tpu.memory_space<vmem>>
    %dma_start3A_211 = tpu.memref_squeeze %dma_start3A_210 : memref<1x128xi32, #tpu.memory_space<vmem>> -> memref<128xi32, #tpu.memory_space<vmem>>
    %dma_start3A_212 = arith.constant 0 : i32
    %dma_start3A_213 = arith.constant 0 : i32
    %dma_start3A_214 = tpu.memref_slice %arg7[%dma_start3A_212, %dma_start3A_213] : memref<201x128xf32, #tpu.memory_space<vmem_shared>> -> memref<201x128xf32, #tpu.memory_space<vmem_shared>>
    tpu.enqueue_indirect_dma source(%dma_start3A_214 : memref<201x128xf32, #tpu.memory_space<vmem_shared>>) target(%dma_start3A_208 : memref<128x128xf32, #tpu.memory_space<vmem>>) offsets(%dma_start3A_211 : memref<128xi32, #tpu.memory_space<vmem>>) semaphore(%arg10 : memref<!tpu.dma_semaphore, #tpu.memory_space<semaphore_mem>>)
    %dma_wait3A_215 = arith.constant 3 : i32
    %dma_wait3A_216 = arith.constant 3 : i32
    %dma_wait3A_217 = arith.constant 0 : i32
    %dma_wait3A_218 = arith.constant 0 : i32
    %dma_wait3A_219 = tpu.memref_slice %arg6[%dma_wait3A_216, %dma_wait3A_217, %dma_wait3A_218] : memref<6x128x128xf32, #tpu.memory_space<vmem>> -> memref<1x128x128xf32, #tpu.memory_space<vmem>>
    %dma_wait3A_220 = tpu.memref_squeeze %dma_wait3A_219 : memref<1x128x128xf32, #tpu.memory_space<vmem>> -> memref<128x128xf32, #tpu.memory_space<vmem>>
    %dma_wait3A_221 = arith.constant 0 : i32
    %dma_wait3A_222 = tpu.memref_slice %arg5[%dma_wait3A_215, %dma_wait3A_221] : memref<200x128xi32, #tpu.memory_space<vmem>> -> memref<1x128xi32, #tpu.memory_space<vmem>>
    %dma_wait3A_223 = tpu.memref_squeeze %dma_wait3A_222 : memref<1x128xi32, #tpu.memory_space<vmem>> -> memref<128xi32, #tpu.memory_space<vmem>>
    %dma_wait3A_224 = arith.constant 0 : i32
    %dma_wait3A_225 = arith.constant 0 : i32
    %dma_wait3A_226 = tpu.memref_slice %arg7[%dma_wait3A_224, %dma_wait3A_225] : memref<201x128xf32, #tpu.memory_space<vmem_shared>> -> memref<201x128xf32, #tpu.memory_space<vmem_shared>>
    tpu.wait_indirect_dma semaphore(%arg12 : memref<!tpu.dma_semaphore, #tpu.memory_space<semaphore_mem>>) src(%dma_wait3A_226 : memref<201x128xf32, #tpu.memory_space<vmem_shared>>) dst(%dma_wait3A_220 : memref<128x128xf32, #tpu.memory_space<vmem>>)
    %add3A_227 = arith.constant 384 : i32
    %add3A_228 = arith.addi %mul3A_9, %add3A_227 : i32
    %dma_start3A_229 = arith.constant 3 : i32
    %dma_start3A_230 = arith.constant 0 : i32
    %dma_start3A_231 = arith.constant 0 : i32
    %dma_start3A_232 = tpu.memref_slice %arg6[%dma_start3A_229, %dma_start3A_230, %dma_start3A_231] : memref<6x128x128xf32, #tpu.memory_space<vmem>> -> memref<1x128x128xf32, #tpu.memory_space<vmem>>
    %dma_start3A_233 = tpu.memref_squeeze %dma_start3A_232 : memref<1x128x128xf32, #tpu.memory_space<vmem>> -> memref<128x128xf32, #tpu.memory_space<vmem>>
    %dma_start3A_234 = arith.constant 0 : i32
    %dma_start3A_235 = tpu.memref_slice %arg4[%add3A_228, %dma_start3A_234] : memref<819200x128xf32, #tpu.memory_space<hbm>> -> memref<128x128xf32, #tpu.memory_space<hbm>>
    %dma_start3A_236 = arith.constant 0 : i32
    %dma_start3A_237 = tpu.memref_slice %arg4[%add3A_228, %dma_start3A_236] : memref<819200x128xf32, #tpu.memory_space<hbm>> -> memref<128x128xf32, #tpu.memory_space<hbm>>
    %dma_start3A_238 = arith.constant 0 : i32
    %dma_start3A_239 = arith.constant 0 : i32
    %dma_start3A_240 = tpu.memref_slice %arg6[%dma_start3A_229, %dma_start3A_238, %dma_start3A_239] : memref<6x128x128xf32, #tpu.memory_space<vmem>> -> memref<1x128x128xf32, #tpu.memory_space<vmem>>
    %dma_start3A_241 = tpu.memref_squeeze %dma_start3A_240 : memref<1x128x128xf32, #tpu.memory_space<vmem>> -> memref<128x128xf32, #tpu.memory_space<vmem>>
    tpu.enqueue_dma source(%dma_start3A_241 : memref<128x128xf32, #tpu.memory_space<vmem>>) target(%dma_start3A_237 : memref<128x128xf32, #tpu.memory_space<hbm>>) target_semaphore(%arg18 : memref<!tpu.dma_semaphore, #tpu.memory_space<semaphore_mem>>)
    %scan3A = arith.constant 0 : i32
    %scan3A_242 = arith.constant 0 : i32
    %scan3A_243 = arith.constant 32 : i32
    %scan3A_244 = arith.addi %scan3A_242, %scan3A_243 : i32
    %scan3A_245 = arith.constant 1 : i32
    scf.for %scan3A_445 = %scan3A_242 to %scan3A_244 step %scan3A_245  : i32 {
      %mul3A_446 = arith.constant 6 : i32
      %mul3A_447 = arith.muli %mul3A_446, %scan3A_445 : i32
      %add3A_448 = arith.constant 4 : i32
      %add3A_449 = arith.addi %mul3A_447, %add3A_448 : i32
      %add3A_450 = arith.constant 0 : i32
      %add3A_451 = arith.addi %add3A_449, %add3A_450 : i32
      %add3A_452 = arith.constant 4 : i32
      %add3A_453 = arith.addi %add3A_451, %add3A_452 : i32
      %sub3A = arith.constant 6 : i32
      %sub3A_454 = arith.subi %add3A_453, %sub3A : i32
      %mul3A_455 = arith.constant 128 : i32
      %mul3A_456 = arith.muli %sub3A_454, %mul3A_455 : i32
      %add3A_457 = arith.addi %mul3A_9, %mul3A_456 : i32
      %dma_wait3A_458 = arith.constant 2 : i32
      %dma_wait3A_459 = arith.constant 0 : i32
      %dma_wait3A_460 = arith.constant 0 : i32
      %dma_wait3A_461 = tpu.memref_slice %arg6[%dma_wait3A_458, %dma_wait3A_459, %dma_wait3A_460] : memref<6x128x128xf32, #tpu.memory_space<vmem>> -> memref<1x128x128xf32, #tpu.memory_space<vmem>>
      %dma_wait3A_462 = tpu.memref_squeeze %dma_wait3A_461 : memref<1x128x128xf32, #tpu.memory_space<vmem>> -> memref<128x128xf32, #tpu.memory_space<vmem>>
      %dma_wait3A_463 = arith.constant 0 : i32
      %dma_wait3A_464 = tpu.memref_slice %arg4[%add3A_457, %dma_wait3A_463] : memref<819200x128xf32, #tpu.memory_space<hbm>> -> memref<128x128xf32, #tpu.memory_space<hbm>>
      %dma_wait3A_465 = arith.constant 0 : i32
      %dma_wait3A_466 = tpu.memref_slice %arg4[%add3A_457, %dma_wait3A_465] : memref<819200x128xf32, #tpu.memory_space<hbm>> -> memref<128x128xf32, #tpu.memory_space<hbm>>
      %dma_wait3A_467 = arith.constant 0 : i32
      %dma_wait3A_468 = arith.constant 0 : i32
      %dma_wait3A_469 = tpu.memref_slice %arg6[%dma_wait3A_458, %dma_wait3A_467, %dma_wait3A_468] : memref<6x128x128xf32, #tpu.memory_space<vmem>> -> memref<1x128x128xf32, #tpu.memory_space<vmem>>
      %dma_wait3A_470 = tpu.memref_squeeze %dma_wait3A_469 : memref<1x128x128xf32, #tpu.memory_space<vmem>> -> memref<128x128xf32, #tpu.memory_space<vmem>>
      tpu.wait_dma2 semaphore(%arg17 : memref<!tpu.dma_semaphore, #tpu.memory_space<semaphore_mem>>) src(%dma_wait3A_470 : memref<128x128xf32, #tpu.memory_space<vmem>>) dst(%dma_wait3A_466 : memref<128x128xf32, #tpu.memory_space<hbm>>)
      %add3A_471 = arith.constant 4 : i32
      %add3A_472 = arith.addi %add3A_451, %add3A_471 : i32
      %dma_start3A_473 = arith.constant 2 : i32
      %dma_start3A_474 = arith.constant 0 : i32
      %dma_start3A_475 = arith.constant 0 : i32
      %dma_start3A_476 = tpu.memref_slice %arg6[%dma_start3A_473, %dma_start3A_474, %dma_start3A_475] : memref<6x128x128xf32, #tpu.memory_space<vmem>> -> memref<1x128x128xf32, #tpu.memory_space<vmem>>
      %dma_start3A_477 = tpu.memref_squeeze %dma_start3A_476 : memref<1x128x128xf32, #tpu.memory_space<vmem>> -> memref<128x128xf32, #tpu.memory_space<vmem>>
      %dma_start3A_478 = arith.constant 0 : i32
      %dma_start3A_479 = tpu.memref_slice %arg5[%add3A_472, %dma_start3A_478] : memref<200x128xi32, #tpu.memory_space<vmem>> -> memref<1x128xi32, #tpu.memory_space<vmem>>
      %dma_start3A_480 = tpu.memref_squeeze %dma_start3A_479 : memref<1x128xi32, #tpu.memory_space<vmem>> -> memref<128xi32, #tpu.memory_space<vmem>>
      %dma_start3A_481 = arith.constant 0 : i32
      %dma_start3A_482 = arith.constant 0 : i32
      %dma_start3A_483 = tpu.memref_slice %arg7[%dma_start3A_481, %dma_start3A_482] : memref<201x128xf32, #tpu.memory_space<vmem_shared>> -> memref<201x128xf32, #tpu.memory_space<vmem_shared>>
      tpu.enqueue_indirect_dma source(%dma_start3A_483 : memref<201x128xf32, #tpu.memory_space<vmem_shared>>) target(%dma_start3A_477 : memref<128x128xf32, #tpu.memory_space<vmem>>) offsets(%dma_start3A_480 : memref<128xi32, #tpu.memory_space<vmem>>) semaphore(%arg11 : memref<!tpu.dma_semaphore, #tpu.memory_space<semaphore_mem>>)
      %dma_wait3A_484 = arith.constant 4 : i32
      %dma_wait3A_485 = arith.constant 0 : i32
      %dma_wait3A_486 = arith.constant 0 : i32
      %dma_wait3A_487 = tpu.memref_slice %arg6[%dma_wait3A_484, %dma_wait3A_485, %dma_wait3A_486] : memref<6x128x128xf32, #tpu.memory_space<vmem>> -> memref<1x128x128xf32, #tpu.memory_space<vmem>>
      %dma_wait3A_488 = tpu.memref_squeeze %dma_wait3A_487 : memref<1x128x128xf32, #tpu.memory_space<vmem>> -> memref<128x128xf32, #tpu.memory_space<vmem>>
      %dma_wait3A_489 = arith.constant 0 : i32
      %dma_wait3A_490 = tpu.memref_slice %arg5[%add3A_451, %dma_wait3A_489] : memref<200x128xi32, #tpu.memory_space<vmem>> -> memref<1x128xi32, #tpu.memory_space<vmem>>
      %dma_wait3A_491 = tpu.memref_squeeze %dma_wait3A_490 : memref<1x128xi32, #tpu.memory_space<vmem>> -> memref<128xi32, #tpu.memory_space<vmem>>
      %dma_wait3A_492 = arith.constant 0 : i32
      %dma_wait3A_493 = arith.constant 0 : i32
      %dma_wait3A_494 = tpu.memref_slice %arg7[%dma_wait3A_492, %dma_wait3A_493] : memref<201x128xf32, #tpu.memory_space<vmem_shared>> -> memref<201x128xf32, #tpu.memory_space<vmem_shared>>
      tpu.wait_indirect_dma semaphore(%arg13 : memref<!tpu.dma_semaphore, #tpu.memory_space<semaphore_mem>>) src(%dma_wait3A_494 : memref<201x128xf32, #tpu.memory_space<vmem_shared>>) dst(%dma_wait3A_488 : memref<128x128xf32, #tpu.memory_space<vmem>>)
      %mul3A_495 = arith.constant 128 : i32
      %mul3A_496 = arith.muli %add3A_451, %mul3A_495 : i32
      %add3A_497 = arith.addi %mul3A_9, %mul3A_496 : i32
      %dma_start3A_498 = arith.constant 4 : i32
      %dma_start3A_499 = arith.constant 0 : i32
      %dma_start3A_500 = arith.constant 0 : i32
      %dma_start3A_501 = tpu.memref_slice %arg6[%dma_start3A_498, %dma_start3A_499, %dma_start3A_500] : memref<6x128x128xf32, #tpu.memory_space<vmem>> -> memref<1x128x128xf32, #tpu.memory_space<vmem>>
      %dma_start3A_502 = tpu.memref_squeeze %dma_start3A_501 : memref<1x128x128xf32, #tpu.memory_space<vmem>> -> memref<128x128xf32, #tpu.memory_space<vmem>>
      %dma_start3A_503 = arith.constant 0 : i32
      %dma_start3A_504 = tpu.memref_slice %arg4[%add3A_497, %dma_start3A_503] : memref<819200x128xf32, #tpu.memory_space<hbm>> -> memref<128x128xf32, #tpu.memory_space<hbm>>
      %dma_start3A_505 = arith.constant 0 : i32
      %dma_start3A_506 = tpu.memref_slice %arg4[%add3A_497, %dma_start3A_505] : memref<819200x128xf32, #tpu.memory_space<hbm>> -> memref<128x128xf32, #tpu.memory_space<hbm>>
      %dma_start3A_507 = arith.constant 0 : i32
      %dma_start3A_508 = arith.constant 0 : i32
      %dma_start3A_509 = tpu.memref_slice %arg6[%dma_start3A_498, %dma_start3A_507, %dma_start3A_508] : memref<6x128x128xf32, #tpu.memory_space<vmem>> -> memref<1x128x128xf32, #tpu.memory_space<vmem>>
      %dma_start3A_510 = tpu.memref_squeeze %dma_start3A_509 : memref<1x128x128xf32, #tpu.memory_space<vmem>> -> memref<128x128xf32, #tpu.memory_space<vmem>>
      tpu.enqueue_dma source(%dma_start3A_510 : memref<128x128xf32, #tpu.memory_space<vmem>>) target(%dma_start3A_506 : memref<128x128xf32, #tpu.memory_space<hbm>>) target_semaphore(%arg19 : memref<!tpu.dma_semaphore, #tpu.memory_space<semaphore_mem>>)
      %mul3A_511 = arith.constant 6 : i32
      %mul3A_512 = arith.muli %mul3A_511, %scan3A_445 : i32
      %add3A_513 = arith.constant 4 : i32
      %add3A_514 = arith.addi %mul3A_512, %add3A_513 : i32
      %add3A_515 = arith.constant 1 : i32
      %add3A_516 = arith.addi %add3A_514, %add3A_515 : i32
      %add3A_517 = arith.constant 4 : i32
      %add3A_518 = arith.addi %add3A_516, %add3A_517 : i32
      %sub3A_519 = arith.constant 6 : i32
      %sub3A_520 = arith.subi %add3A_518, %sub3A_519 : i32
      %mul3A_521 = arith.constant 128 : i32
      %mul3A_522 = arith.muli %sub3A_520, %mul3A_521 : i32
      %add3A_523 = arith.addi %mul3A_9, %mul3A_522 : i32
      %dma_wait3A_524 = arith.constant 3 : i32
      %dma_wait3A_525 = arith.constant 0 : i32
      %dma_wait3A_526 = arith.constant 0 : i32
      %dma_wait3A_527 = tpu.memref_slice %arg6[%dma_wait3A_524, %dma_wait3A_525, %dma_wait3A_526] : memref<6x128x128xf32, #tpu.memory_space<vmem>> -> memref<1x128x128xf32, #tpu.memory_space<vmem>>
      %dma_wait3A_528 = tpu.memref_squeeze %dma_wait3A_527 : memref<1x128x128xf32, #tpu.memory_space<vmem>> -> memref<128x128xf32, #tpu.memory_space<vmem>>
      %dma_wait3A_529 = arith.constant 0 : i32
      %dma_wait3A_530 = tpu.memref_slice %arg4[%add3A_523, %dma_wait3A_529] : memref<819200x128xf32, #tpu.memory_space<hbm>> -> memref<128x128xf32, #tpu.memory_space<hbm>>
      %dma_wait3A_531 = arith.constant 0 : i32
      %dma_wait3A_532 = tpu.memref_slice %arg4[%add3A_523, %dma_wait3A_531] : memref<819200x128xf32, #tpu.memory_space<hbm>> -> memref<128x128xf32, #tpu.memory_space<hbm>>
      %dma_wait3A_533 = arith.constant 0 : i32
      %dma_wait3A_534 = arith.constant 0 : i32
      %dma_wait3A_535 = tpu.memref_slice %arg6[%dma_wait3A_524, %dma_wait3A_533, %dma_wait3A_534] : memref<6x128x128xf32, #tpu.memory_space<vmem>> -> memref<1x128x128xf32, #tpu.memory_space<vmem>>
      %dma_wait3A_536 = tpu.memref_squeeze %dma_wait3A_535 : memref<1x128x128xf32, #tpu.memory_space<vmem>> -> memref<128x128xf32, #tpu.memory_space<vmem>>
      tpu.wait_dma2 semaphore(%arg18 : memref<!tpu.dma_semaphore, #tpu.memory_space<semaphore_mem>>) src(%dma_wait3A_536 : memref<128x128xf32, #tpu.memory_space<vmem>>) dst(%dma_wait3A_532 : memref<128x128xf32, #tpu.memory_space<hbm>>)
      %add3A_537 = arith.constant 4 : i32
      %add3A_538 = arith.addi %add3A_516, %add3A_537 : i32
      %dma_start3A_539 = arith.constant 3 : i32
      %dma_start3A_540 = arith.constant 0 : i32
      %dma_start3A_541 = arith.constant 0 : i32
      %dma_start3A_542 = tpu.memref_slice %arg6[%dma_start3A_539, %dma_start3A_540, %dma_start3A_541] : memref<6x128x128xf32, #tpu.memory_space<vmem>> -> memref<1x128x128xf32, #tpu.memory_space<vmem>>
      %dma_start3A_543 = tpu.memref_squeeze %dma_start3A_542 : memref<1x128x128xf32, #tpu.memory_space<vmem>> -> memref<128x128xf32, #tpu.memory_space<vmem>>
      %dma_start3A_544 = arith.constant 0 : i32
      %dma_start3A_545 = tpu.memref_slice %arg5[%add3A_538, %dma_start3A_544] : memref<200x128xi32, #tpu.memory_space<vmem>> -> memref<1x128xi32, #tpu.memory_space<vmem>>
      %dma_start3A_546 = tpu.memref_squeeze %dma_start3A_545 : memref<1x128xi32, #tpu.memory_space<vmem>> -> memref<128xi32, #tpu.memory_space<vmem>>
      %dma_start3A_547 = arith.constant 0 : i32
      %dma_start3A_548 = arith.constant 0 : i32
      %dma_start3A_549 = tpu.memref_slice %arg7[%dma_start3A_547, %dma_start3A_548] : memref<201x128xf32, #tpu.memory_space<vmem_shared>> -> memref<201x128xf32, #tpu.memory_space<vmem_shared>>
      tpu.enqueue_indirect_dma source(%dma_start3A_549 : memref<201x128xf32, #tpu.memory_space<vmem_shared>>) target(%dma_start3A_543 : memref<128x128xf32, #tpu.memory_space<vmem>>) offsets(%dma_start3A_546 : memref<128xi32, #tpu.memory_space<vmem>>) semaphore(%arg12 : memref<!tpu.dma_semaphore, #tpu.memory_space<semaphore_mem>>)
      %dma_wait3A_550 = arith.constant 5 : i32
      %dma_wait3A_551 = arith.constant 0 : i32
      %dma_wait3A_552 = arith.constant 0 : i32
      %dma_wait3A_553 = tpu.memref_slice %arg6[%dma_wait3A_550, %dma_wait3A_551, %dma_wait3A_552] : memref<6x128x128xf32, #tpu.memory_space<vmem>> -> memref<1x128x128xf32, #tpu.memory_space<vmem>>
      %dma_wait3A_554 = tpu.memref_squeeze %dma_wait3A_553 : memref<1x128x128xf32, #tpu.memory_space<vmem>> -> memref<128x128xf32, #tpu.memory_space<vmem>>
      %dma_wait3A_555 = arith.constant 0 : i32
      %dma_wait3A_556 = tpu.memref_slice %arg5[%add3A_516, %dma_wait3A_555] : memref<200x128xi32, #tpu.memory_space<vmem>> -> memref<1x128xi32, #tpu.memory_space<vmem>>
      %dma_wait3A_557 = tpu.memref_squeeze %dma_wait3A_556 : memref<1x128xi32, #tpu.memory_space<vmem>> -> memref<128xi32, #tpu.memory_space<vmem>>
      %dma_wait3A_558 = arith.constant 0 : i32
      %dma_wait3A_559 = arith.constant 0 : i32
      %dma_wait3A_560 = tpu.memref_slice %arg7[%dma_wait3A_558, %dma_wait3A_559] : memref<201x128xf32, #tpu.memory_space<vmem_shared>> -> memref<201x128xf32, #tpu.memory_space<vmem_shared>>
      tpu.wait_indirect_dma semaphore(%arg14 : memref<!tpu.dma_semaphore, #tpu.memory_space<semaphore_mem>>) src(%dma_wait3A_560 : memref<201x128xf32, #tpu.memory_space<vmem_shared>>) dst(%dma_wait3A_554 : memref<128x128xf32, #tpu.memory_space<vmem>>)
      %mul3A_561 = arith.constant 128 : i32
      %mul3A_562 = arith.muli %add3A_516, %mul3A_561 : i32
      %add3A_563 = arith.addi %mul3A_9, %mul3A_562 : i32
      %dma_start3A_564 = arith.constant 5 : i32
      %dma_start3A_565 = arith.constant 0 : i32
      %dma_start3A_566 = arith.constant 0 : i32
      %dma_start3A_567 = tpu.memref_slice %arg6[%dma_start3A_564, %dma_start3A_565, %dma_start3A_566] : memref<6x128x128xf32, #tpu.memory_space<vmem>> -> memref<1x128x128xf32, #tpu.memory_space<vmem>>
      %dma_start3A_568 = tpu.memref_squeeze %dma_start3A_567 : memref<1x128x128xf32, #tpu.memory_space<vmem>> -> memref<128x128xf32, #tpu.memory_space<vmem>>
      %dma_start3A_569 = arith.constant 0 : i32
      %dma_start3A_570 = tpu.memref_slice %arg4[%add3A_563, %dma_start3A_569] : memref<819200x128xf32, #tpu.memory_space<hbm>> -> memref<128x128xf32, #tpu.memory_space<hbm>>
      %dma_start3A_571 = arith.constant 0 : i32
      %dma_start3A_572 = tpu.memref_slice %arg4[%add3A_563, %dma_start3A_571] : memref<819200x128xf32, #tpu.memory_space<hbm>> -> memref<128x128xf32, #tpu.memory_space<hbm>>
      %dma_start3A_573 = arith.constant 0 : i32
      %dma_start3A_574 = arith.constant 0 : i32
      %dma_start3A_575 = tpu.memref_slice %arg6[%dma_start3A_564, %dma_start3A_573, %dma_start3A_574] : memref<6x128x128xf32, #tpu.memory_space<vmem>> -> memref<1x128x128xf32, #tpu.memory_space<vmem>>
      %dma_start3A_576 = tpu.memref_squeeze %dma_start3A_575 : memref<1x128x128xf32, #tpu.memory_space<vmem>> -> memref<128x128xf32, #tpu.memory_space<vmem>>
      tpu.enqueue_dma source(%dma_start3A_576 : memref<128x128xf32, #tpu.memory_space<vmem>>) target(%dma_start3A_572 : memref<128x128xf32, #tpu.memory_space<hbm>>) target_semaphore(%arg20 : memref<!tpu.dma_semaphore, #tpu.memory_space<semaphore_mem>>)
      %mul3A_577 = arith.constant 6 : i32
      %mul3A_578 = arith.muli %mul3A_577, %scan3A_445 : i32
      %add3A_579 = arith.constant 4 : i32
      %add3A_580 = arith.addi %mul3A_578, %add3A_579 : i32
      %add3A_581 = arith.constant 2 : i32
      %add3A_582 = arith.addi %add3A_580, %add3A_581 : i32
      %add3A_583 = arith.constant 4 : i32
      %add3A_584 = arith.addi %add3A_582, %add3A_583 : i32
      %sub3A_585 = arith.constant 6 : i32
      %sub3A_586 = arith.subi %add3A_584, %sub3A_585 : i32
      %mul3A_587 = arith.constant 128 : i32
      %mul3A_588 = arith.muli %sub3A_586, %mul3A_587 : i32
      %add3A_589 = arith.addi %mul3A_9, %mul3A_588 : i32
      %dma_wait3A_590 = arith.constant 4 : i32
      %dma_wait3A_591 = arith.constant 0 : i32
      %dma_wait3A_592 = arith.constant 0 : i32
      %dma_wait3A_593 = tpu.memref_slice %arg6[%dma_wait3A_590, %dma_wait3A_591, %dma_wait3A_592] : memref<6x128x128xf32, #tpu.memory_space<vmem>> -> memref<1x128x128xf32, #tpu.memory_space<vmem>>
      %dma_wait3A_594 = tpu.memref_squeeze %dma_wait3A_593 : memref<1x128x128xf32, #tpu.memory_space<vmem>> -> memref<128x128xf32, #tpu.memory_space<vmem>>
      %dma_wait3A_595 = arith.constant 0 : i32
      %dma_wait3A_596 = tpu.memref_slice %arg4[%add3A_589, %dma_wait3A_595] : memref<819200x128xf32, #tpu.memory_space<hbm>> -> memref<128x128xf32, #tpu.memory_space<hbm>>
      %dma_wait3A_597 = arith.constant 0 : i32
      %dma_wait3A_598 = tpu.memref_slice %arg4[%add3A_589, %dma_wait3A_597] : memref<819200x128xf32, #tpu.memory_space<hbm>> -> memref<128x128xf32, #tpu.memory_space<hbm>>
      %dma_wait3A_599 = arith.constant 0 : i32
      %dma_wait3A_600 = arith.constant 0 : i32
      %dma_wait3A_601 = tpu.memref_slice %arg6[%dma_wait3A_590, %dma_wait3A_599, %dma_wait3A_600] : memref<6x128x128xf32, #tpu.memory_space<vmem>> -> memref<1x128x128xf32, #tpu.memory_space<vmem>>
      %dma_wait3A_602 = tpu.memref_squeeze %dma_wait3A_601 : memref<1x128x128xf32, #tpu.memory_space<vmem>> -> memref<128x128xf32, #tpu.memory_space<vmem>>
      tpu.wait_dma2 semaphore(%arg19 : memref<!tpu.dma_semaphore, #tpu.memory_space<semaphore_mem>>) src(%dma_wait3A_602 : memref<128x128xf32, #tpu.memory_space<vmem>>) dst(%dma_wait3A_598 : memref<128x128xf32, #tpu.memory_space<hbm>>)
      %add3A_603 = arith.constant 4 : i32
      %add3A_604 = arith.addi %add3A_582, %add3A_603 : i32
      %dma_start3A_605 = arith.constant 4 : i32
      %dma_start3A_606 = arith.constant 0 : i32
      %dma_start3A_607 = arith.constant 0 : i32
      %dma_start3A_608 = tpu.memref_slice %arg6[%dma_start3A_605, %dma_start3A_606, %dma_start3A_607] : memref<6x128x128xf32, #tpu.memory_space<vmem>> -> memref<1x128x128xf32, #tpu.memory_space<vmem>>
      %dma_start3A_609 = tpu.memref_squeeze %dma_start3A_608 : memref<1x128x128xf32, #tpu.memory_space<vmem>> -> memref<128x128xf32, #tpu.memory_space<vmem>>
      %dma_start3A_610 = arith.constant 0 : i32
      %dma_start3A_611 = tpu.memref_slice %arg5[%add3A_604, %dma_start3A_610] : memref<200x128xi32, #tpu.memory_space<vmem>> -> memref<1x128xi32, #tpu.memory_space<vmem>>
      %dma_start3A_612 = tpu.memref_squeeze %dma_start3A_611 : memref<1x128xi32, #tpu.memory_space<vmem>> -> memref<128xi32, #tpu.memory_space<vmem>>
      %dma_start3A_613 = arith.constant 0 : i32
      %dma_start3A_614 = arith.constant 0 : i32
      %dma_start3A_615 = tpu.memref_slice %arg7[%dma_start3A_613, %dma_start3A_614] : memref<201x128xf32, #tpu.memory_space<vmem_shared>> -> memref<201x128xf32, #tpu.memory_space<vmem_shared>>
      tpu.enqueue_indirect_dma source(%dma_start3A_615 : memref<201x128xf32, #tpu.memory_space<vmem_shared>>) target(%dma_start3A_609 : memref<128x128xf32, #tpu.memory_space<vmem>>) offsets(%dma_start3A_612 : memref<128xi32, #tpu.memory_space<vmem>>) semaphore(%arg13 : memref<!tpu.dma_semaphore, #tpu.memory_space<semaphore_mem>>)
      %dma_wait3A_616 = arith.constant 0 : i32
      %dma_wait3A_617 = arith.constant 0 : i32
      %dma_wait3A_618 = arith.constant 0 : i32
      %dma_wait3A_619 = tpu.memref_slice %arg6[%dma_wait3A_616, %dma_wait3A_617, %dma_wait3A_618] : memref<6x128x128xf32, #tpu.memory_space<vmem>> -> memref<1x128x128xf32, #tpu.memory_space<vmem>>
      %dma_wait3A_620 = tpu.memref_squeeze %dma_wait3A_619 : memref<1x128x128xf32, #tpu.memory_space<vmem>> -> memref<128x128xf32, #tpu.memory_space<vmem>>
      %dma_wait3A_621 = arith.constant 0 : i32
      %dma_wait3A_622 = tpu.memref_slice %arg5[%add3A_582, %dma_wait3A_621] : memref<200x128xi32, #tpu.memory_space<vmem>> -> memref<1x128xi32, #tpu.memory_space<vmem>>
      %dma_wait3A_623 = tpu.memref_squeeze %dma_wait3A_622 : memref<1x128xi32, #tpu.memory_space<vmem>> -> memref<128xi32, #tpu.memory_space<vmem>>
      %dma_wait3A_624 = arith.constant 0 : i32
      %dma_wait3A_625 = arith.constant 0 : i32
      %dma_wait3A_626 = tpu.memref_slice %arg7[%dma_wait3A_624, %dma_wait3A_625] : memref<201x128xf32, #tpu.memory_space<vmem_shared>> -> memref<201x128xf32, #tpu.memory_space<vmem_shared>>
      tpu.wait_indirect_dma semaphore(%arg9 : memref<!tpu.dma_semaphore, #tpu.memory_space<semaphore_mem>>) src(%dma_wait3A_626 : memref<201x128xf32, #tpu.memory_space<vmem_shared>>) dst(%dma_wait3A_620 : memref<128x128xf32, #tpu.memory_space<vmem>>)
      %mul3A_627 = arith.constant 128 : i32
      %mul3A_628 = arith.muli %add3A_582, %mul3A_627 : i32
      %add3A_629 = arith.addi %mul3A_9, %mul3A_628 : i32
      %dma_start3A_630 = arith.constant 0 : i32
      %dma_start3A_631 = arith.constant 0 : i32
      %dma_start3A_632 = arith.constant 0 : i32
      %dma_start3A_633 = tpu.memref_slice %arg6[%dma_start3A_630, %dma_start3A_631, %dma_start3A_632] : memref<6x128x128xf32, #tpu.memory_space<vmem>> -> memref<1x128x128xf32, #tpu.memory_space<vmem>>
      %dma_start3A_634 = tpu.memref_squeeze %dma_start3A_633 : memref<1x128x128xf32, #tpu.memory_space<vmem>> -> memref<128x128xf32, #tpu.memory_space<vmem>>
      %dma_start3A_635 = arith.constant 0 : i32
      %dma_start3A_636 = tpu.memref_slice %arg4[%add3A_629, %dma_start3A_635] : memref<819200x128xf32, #tpu.memory_space<hbm>> -> memref<128x128xf32, #tpu.memory_space<hbm>>
      %dma_start3A_637 = arith.constant 0 : i32
      %dma_start3A_638 = tpu.memref_slice %arg4[%add3A_629, %dma_start3A_637] : memref<819200x128xf32, #tpu.memory_space<hbm>> -> memref<128x128xf32, #tpu.memory_space<hbm>>
      %dma_start3A_639 = arith.constant 0 : i32
      %dma_start3A_640 = arith.constant 0 : i32
      %dma_start3A_641 = tpu.memref_slice %arg6[%dma_start3A_630, %dma_start3A_639, %dma_start3A_640] : memref<6x128x128xf32, #tpu.memory_space<vmem>> -> memref<1x128x128xf32, #tpu.memory_space<vmem>>
      %dma_start3A_642 = tpu.memref_squeeze %dma_start3A_641 : memref<1x128x128xf32, #tpu.memory_space<vmem>> -> memref<128x128xf32, #tpu.memory_space<vmem>>
      tpu.enqueue_dma source(%dma_start3A_642 : memref<128x128xf32, #tpu.memory_space<vmem>>) target(%dma_start3A_638 : memref<128x128xf32, #tpu.memory_space<hbm>>) target_semaphore(%arg15 : memref<!tpu.dma_semaphore, #tpu.memory_space<semaphore_mem>>)
      %mul3A_643 = arith.constant 6 : i32
      %mul3A_644 = arith.muli %mul3A_643, %scan3A_445 : i32
      %add3A_645 = arith.constant 4 : i32
      %add3A_646 = arith.addi %mul3A_644, %add3A_645 : i32
      %add3A_647 = arith.constant 3 : i32
      %add3A_648 = arith.addi %add3A_646, %add3A_647 : i32
      %add3A_649 = arith.constant 4 : i32
      %add3A_650 = arith.addi %add3A_648, %add3A_649 : i32
      %sub3A_651 = arith.constant 6 : i32
      %sub3A_652 = arith.subi %add3A_650, %sub3A_651 : i32
      %mul3A_653 = arith.constant 128 : i32
      %mul3A_654 = arith.muli %sub3A_652, %mul3A_653 : i32
      %add3A_655 = arith.addi %mul3A_9, %mul3A_654 : i32
      %dma_wait3A_656 = arith.constant 5 : i32
      %dma_wait3A_657 = arith.constant 0 : i32
      %dma_wait3A_658 = arith.constant 0 : i32
      %dma_wait3A_659 = tpu.memref_slice %arg6[%dma_wait3A_656, %dma_wait3A_657, %dma_wait3A_658] : memref<6x128x128xf32, #tpu.memory_space<vmem>> -> memref<1x128x128xf32, #tpu.memory_space<vmem>>
      %dma_wait3A_660 = tpu.memref_squeeze %dma_wait3A_659 : memref<1x128x128xf32, #tpu.memory_space<vmem>> -> memref<128x128xf32, #tpu.memory_space<vmem>>
      %dma_wait3A_661 = arith.constant 0 : i32
      %dma_wait3A_662 = tpu.memref_slice %arg4[%add3A_655, %dma_wait3A_661] : memref<819200x128xf32, #tpu.memory_space<hbm>> -> memref<128x128xf32, #tpu.memory_space<hbm>>
      %dma_wait3A_663 = arith.constant 0 : i32
      %dma_wait3A_664 = tpu.memref_slice %arg4[%add3A_655, %dma_wait3A_663] : memref<819200x128xf32, #tpu.memory_space<hbm>> -> memref<128x128xf32, #tpu.memory_space<hbm>>
      %dma_wait3A_665 = arith.constant 0 : i32
      %dma_wait3A_666 = arith.constant 0 : i32
      %dma_wait3A_667 = tpu.memref_slice %arg6[%dma_wait3A_656, %dma_wait3A_665, %dma_wait3A_666] : memref<6x128x128xf32, #tpu.memory_space<vmem>> -> memref<1x128x128xf32, #tpu.memory_space<vmem>>
      %dma_wait3A_668 = tpu.memref_squeeze %dma_wait3A_667 : memref<1x128x128xf32, #tpu.memory_space<vmem>> -> memref<128x128xf32, #tpu.memory_space<vmem>>
      tpu.wait_dma2 semaphore(%arg20 : memref<!tpu.dma_semaphore, #tpu.memory_space<semaphore_mem>>) src(%dma_wait3A_668 : memref<128x128xf32, #tpu.memory_space<vmem>>) dst(%dma_wait3A_664 : memref<128x128xf32, #tpu.memory_space<hbm>>)
      %add3A_669 = arith.constant 4 : i32
      %add3A_670 = arith.addi %add3A_648, %add3A_669 : i32
      %dma_start3A_671 = arith.constant 5 : i32
      %dma_start3A_672 = arith.constant 0 : i32
      %dma_start3A_673 = arith.constant 0 : i32
      %dma_start3A_674 = tpu.memref_slice %arg6[%dma_start3A_671, %dma_start3A_672, %dma_start3A_673] : memref<6x128x128xf32, #tpu.memory_space<vmem>> -> memref<1x128x128xf32, #tpu.memory_space<vmem>>
      %dma_start3A_675 = tpu.memref_squeeze %dma_start3A_674 : memref<1x128x128xf32, #tpu.memory_space<vmem>> -> memref<128x128xf32, #tpu.memory_space<vmem>>
      %dma_start3A_676 = arith.constant 0 : i32
      %dma_start3A_677 = tpu.memref_slice %arg5[%add3A_670, %dma_start3A_676] : memref<200x128xi32, #tpu.memory_space<vmem>> -> memref<1x128xi32, #tpu.memory_space<vmem>>
      %dma_start3A_678 = tpu.memref_squeeze %dma_start3A_677 : memref<1x128xi32, #tpu.memory_space<vmem>> -> memref<128xi32, #tpu.memory_space<vmem>>
      %dma_start3A_679 = arith.constant 0 : i32
      %dma_start3A_680 = arith.constant 0 : i32
      %dma_start3A_681 = tpu.memref_slice %arg7[%dma_start3A_679, %dma_start3A_680] : memref<201x128xf32, #tpu.memory_space<vmem_shared>> -> memref<201x128xf32, #tpu.memory_space<vmem_shared>>
      tpu.enqueue_indirect_dma source(%dma_start3A_681 : memref<201x128xf32, #tpu.memory_space<vmem_shared>>) target(%dma_start3A_675 : memref<128x128xf32, #tpu.memory_space<vmem>>) offsets(%dma_start3A_678 : memref<128xi32, #tpu.memory_space<vmem>>) semaphore(%arg14 : memref<!tpu.dma_semaphore, #tpu.memory_space<semaphore_mem>>)
      %dma_wait3A_682 = arith.constant 1 : i32
      %dma_wait3A_683 = arith.constant 0 : i32
      %dma_wait3A_684 = arith.constant 0 : i32
      %dma_wait3A_685 = tpu.memref_slice %arg6[%dma_wait3A_682, %dma_wait3A_683, %dma_wait3A_684] : memref<6x128x128xf32, #tpu.memory_space<vmem>> -> memref<1x128x128xf32, #tpu.memory_space<vmem>>
      %dma_wait3A_686 = tpu.memref_squeeze %dma_wait3A_685 : memref<1x128x128xf32, #tpu.memory_space<vmem>> -> memref<128x128xf32, #tpu.memory_space<vmem>>
      %dma_wait3A_687 = arith.constant 0 : i32
      %dma_wait3A_688 = tpu.memref_slice %arg5[%add3A_648, %dma_wait3A_687] : memref<200x128xi32, #tpu.memory_space<vmem>> -> memref<1x128xi32, #tpu.memory_space<vmem>>
      %dma_wait3A_689 = tpu.memref_squeeze %dma_wait3A_688 : memref<1x128xi32, #tpu.memory_space<vmem>> -> memref<128xi32, #tpu.memory_space<vmem>>
      %dma_wait3A_690 = arith.constant 0 : i32
      %dma_wait3A_691 = arith.constant 0 : i32
      %dma_wait3A_692 = tpu.memref_slice %arg7[%dma_wait3A_690, %dma_wait3A_691] : memref<201x128xf32, #tpu.memory_space<vmem_shared>> -> memref<201x128xf32, #tpu.memory_space<vmem_shared>>
      tpu.wait_indirect_dma semaphore(%arg10 : memref<!tpu.dma_semaphore, #tpu.memory_space<semaphore_mem>>) src(%dma_wait3A_692 : memref<201x128xf32, #tpu.memory_space<vmem_shared>>) dst(%dma_wait3A_686 : memref<128x128xf32, #tpu.memory_space<vmem>>)
      %mul3A_693 = arith.constant 128 : i32
      %mul3A_694 = arith.muli %add3A_648, %mul3A_693 : i32
      %add3A_695 = arith.addi %mul3A_9, %mul3A_694 : i32
      %dma_start3A_696 = arith.constant 1 : i32
      %dma_start3A_697 = arith.constant 0 : i32
      %dma_start3A_698 = arith.constant 0 : i32
      %dma_start3A_699 = tpu.memref_slice %arg6[%dma_start3A_696, %dma_start3A_697, %dma_start3A_698] : memref<6x128x128xf32, #tpu.memory_space<vmem>> -> memref<1x128x128xf32, #tpu.memory_space<vmem>>
      %dma_start3A_700 = tpu.memref_squeeze %dma_start3A_699 : memref<1x128x128xf32, #tpu.memory_space<vmem>> -> memref<128x128xf32, #tpu.memory_space<vmem>>
      %dma_start3A_701 = arith.constant 0 : i32
      %dma_start3A_702 = tpu.memref_slice %arg4[%add3A_695, %dma_start3A_701] : memref<819200x128xf32, #tpu.memory_space<hbm>> -> memref<128x128xf32, #tpu.memory_space<hbm>>
      %dma_start3A_703 = arith.constant 0 : i32
      %dma_start3A_704 = tpu.memref_slice %arg4[%add3A_695, %dma_start3A_703] : memref<819200x128xf32, #tpu.memory_space<hbm>> -> memref<128x128xf32, #tpu.memory_space<hbm>>
      %dma_start3A_705 = arith.constant 0 : i32
      %dma_start3A_706 = arith.constant 0 : i32
      %dma_start3A_707 = tpu.memref_slice %arg6[%dma_start3A_696, %dma_start3A_705, %dma_start3A_706] : memref<6x128x128xf32, #tpu.memory_space<vmem>> -> memref<1x128x128xf32, #tpu.memory_space<vmem>>
      %dma_start3A_708 = tpu.memref_squeeze %dma_start3A_707 : memref<1x128x128xf32, #tpu.memory_space<vmem>> -> memref<128x128xf32, #tpu.memory_space<vmem>>
      tpu.enqueue_dma source(%dma_start3A_708 : memref<128x128xf32, #tpu.memory_space<vmem>>) target(%dma_start3A_704 : memref<128x128xf32, #tpu.memory_space<hbm>>) target_semaphore(%arg16 : memref<!tpu.dma_semaphore, #tpu.memory_space<semaphore_mem>>)
      %mul3A_709 = arith.constant 6 : i32
      %mul3A_710 = arith.muli %mul3A_709, %scan3A_445 : i32
      %add3A_711 = arith.constant 4 : i32
      %add3A_712 = arith.addi %mul3A_710, %add3A_711 : i32
      %add3A_713 = arith.constant 4 : i32
      %add3A_714 = arith.addi %add3A_712, %add3A_713 : i32
      %add3A_715 = arith.constant 4 : i32
      %add3A_716 = arith.addi %add3A_714, %add3A_715 : i32
      %sub3A_717 = arith.constant 6 : i32
      %sub3A_718 = arith.subi %add3A_716, %sub3A_717 : i32
      %mul3A_719 = arith.constant 128 : i32
      %mul3A_720 = arith.muli %sub3A_718, %mul3A_719 : i32
      %add3A_721 = arith.addi %mul3A_9, %mul3A_720 : i32
      %dma_wait3A_722 = arith.constant 0 : i32
      %dma_wait3A_723 = arith.constant 0 : i32
      %dma_wait3A_724 = arith.constant 0 : i32
      %dma_wait3A_725 = tpu.memref_slice %arg6[%dma_wait3A_722, %dma_wait3A_723, %dma_wait3A_724] : memref<6x128x128xf32, #tpu.memory_space<vmem>> -> memref<1x128x128xf32, #tpu.memory_space<vmem>>
      %dma_wait3A_726 = tpu.memref_squeeze %dma_wait3A_725 : memref<1x128x128xf32, #tpu.memory_space<vmem>> -> memref<128x128xf32, #tpu.memory_space<vmem>>
      %dma_wait3A_727 = arith.constant 0 : i32
      %dma_wait3A_728 = tpu.memref_slice %arg4[%add3A_721, %dma_wait3A_727] : memref<819200x128xf32, #tpu.memory_space<hbm>> -> memref<128x128xf32, #tpu.memory_space<hbm>>
      %dma_wait3A_729 = arith.constant 0 : i32
      %dma_wait3A_730 = tpu.memref_slice %arg4[%add3A_721, %dma_wait3A_729] : memref<819200x128xf32, #tpu.memory_space<hbm>> -> memref<128x128xf32, #tpu.memory_space<hbm>>
      %dma_wait3A_731 = arith.constant 0 : i32
      %dma_wait3A_732 = arith.constant 0 : i32
      %dma_wait3A_733 = tpu.memref_slice %arg6[%dma_wait3A_722, %dma_wait3A_731, %dma_wait3A_732] : memref<6x128x128xf32, #tpu.memory_space<vmem>> -> memref<1x128x128xf32, #tpu.memory_space<vmem>>
      %dma_wait3A_734 = tpu.memref_squeeze %dma_wait3A_733 : memref<1x128x128xf32, #tpu.memory_space<vmem>> -> memref<128x128xf32, #tpu.memory_space<vmem>>
      tpu.wait_dma2 semaphore(%arg15 : memref<!tpu.dma_semaphore, #tpu.memory_space<semaphore_mem>>) src(%dma_wait3A_734 : memref<128x128xf32, #tpu.memory_space<vmem>>) dst(%dma_wait3A_730 : memref<128x128xf32, #tpu.memory_space<hbm>>)
      %add3A_735 = arith.constant 4 : i32
      %add3A_736 = arith.addi %add3A_714, %add3A_735 : i32
      %dma_start3A_737 = arith.constant 0 : i32
      %dma_start3A_738 = arith.constant 0 : i32
      %dma_start3A_739 = arith.constant 0 : i32
      %dma_start3A_740 = tpu.memref_slice %arg6[%dma_start3A_737, %dma_start3A_738, %dma_start3A_739] : memref<6x128x128xf32, #tpu.memory_space<vmem>> -> memref<1x128x128xf32, #tpu.memory_space<vmem>>
      %dma_start3A_741 = tpu.memref_squeeze %dma_start3A_740 : memref<1x128x128xf32, #tpu.memory_space<vmem>> -> memref<128x128xf32, #tpu.memory_space<vmem>>
      %dma_start3A_742 = arith.constant 0 : i32
      %dma_start3A_743 = tpu.memref_slice %arg5[%add3A_736, %dma_start3A_742] : memref<200x128xi32, #tpu.memory_space<vmem>> -> memref<1x128xi32, #tpu.memory_space<vmem>>
      %dma_start3A_744 = tpu.memref_squeeze %dma_start3A_743 : memref<1x128xi32, #tpu.memory_space<vmem>> -> memref<128xi32, #tpu.memory_space<vmem>>
      %dma_start3A_745 = arith.constant 0 : i32
      %dma_start3A_746 = arith.constant 0 : i32
      %dma_start3A_747 = tpu.memref_slice %arg7[%dma_start3A_745, %dma_start3A_746] : memref<201x128xf32, #tpu.memory_space<vmem_shared>> -> memref<201x128xf32, #tpu.memory_space<vmem_shared>>
      tpu.enqueue_indirect_dma source(%dma_start3A_747 : memref<201x128xf32, #tpu.memory_space<vmem_shared>>) target(%dma_start3A_741 : memref<128x128xf32, #tpu.memory_space<vmem>>) offsets(%dma_start3A_744 : memref<128xi32, #tpu.memory_space<vmem>>) semaphore(%arg9 : memref<!tpu.dma_semaphore, #tpu.memory_space<semaphore_mem>>)
      %dma_wait3A_748 = arith.constant 2 : i32
      %dma_wait3A_749 = arith.constant 0 : i32
      %dma_wait3A_750 = arith.constant 0 : i32
      %dma_wait3A_751 = tpu.memref_slice %arg6[%dma_wait3A_748, %dma_wait3A_749, %dma_wait3A_750] : memref<6x128x128xf32, #tpu.memory_space<vmem>> -> memref<1x128x128xf32, #tpu.memory_space<vmem>>
      %dma_wait3A_752 = tpu.memref_squeeze %dma_wait3A_751 : memref<1x128x128xf32, #tpu.memory_space<vmem>> -> memref<128x128xf32, #tpu.memory_space<vmem>>
      %dma_wait3A_753 = arith.constant 0 : i32
      %dma_wait3A_754 = tpu.memref_slice %arg5[%add3A_714, %dma_wait3A_753] : memref<200x128xi32, #tpu.memory_space<vmem>> -> memref<1x128xi32, #tpu.memory_space<vmem>>
      %dma_wait3A_755 = tpu.memref_squeeze %dma_wait3A_754 : memref<1x128xi32, #tpu.memory_space<vmem>> -> memref<128xi32, #tpu.memory_space<vmem>>
      %dma_wait3A_756 = arith.constant 0 : i32
      %dma_wait3A_757 = arith.constant 0 : i32
      %dma_wait3A_758 = tpu.memref_slice %arg7[%dma_wait3A_756, %dma_wait3A_757] : memref<201x128xf32, #tpu.memory_space<vmem_shared>> -> memref<201x128xf32, #tpu.memory_space<vmem_shared>>
      tpu.wait_indirect_dma semaphore(%arg11 : memref<!tpu.dma_semaphore, #tpu.memory_space<semaphore_mem>>) src(%dma_wait3A_758 : memref<201x128xf32, #tpu.memory_space<vmem_shared>>) dst(%dma_wait3A_752 : memref<128x128xf32, #tpu.memory_space<vmem>>)
      %mul3A_759 = arith.constant 128 : i32
      %mul3A_760 = arith.muli %add3A_714, %mul3A_759 : i32
      %add3A_761 = arith.addi %mul3A_9, %mul3A_760 : i32
      %dma_start3A_762 = arith.constant 2 : i32
      %dma_start3A_763 = arith.constant 0 : i32
      %dma_start3A_764 = arith.constant 0 : i32
      %dma_start3A_765 = tpu.memref_slice %arg6[%dma_start3A_762, %dma_start3A_763, %dma_start3A_764] : memref<6x128x128xf32, #tpu.memory_space<vmem>> -> memref<1x128x128xf32, #tpu.memory_space<vmem>>
      %dma_start3A_766 = tpu.memref_squeeze %dma_start3A_765 : memref<1x128x128xf32, #tpu.memory_space<vmem>> -> memref<128x128xf32, #tpu.memory_space<vmem>>
      %dma_start3A_767 = arith.constant 0 : i32
      %dma_start3A_768 = tpu.memref_slice %arg4[%add3A_761, %dma_start3A_767] : memref<819200x128xf32, #tpu.memory_space<hbm>> -> memref<128x128xf32, #tpu.memory_space<hbm>>
      %dma_start3A_769 = arith.constant 0 : i32
      %dma_start3A_770 = tpu.memref_slice %arg4[%add3A_761, %dma_start3A_769] : memref<819200x128xf32, #tpu.memory_space<hbm>> -> memref<128x128xf32, #tpu.memory_space<hbm>>
      %dma_start3A_771 = arith.constant 0 : i32
      %dma_start3A_772 = arith.constant 0 : i32
      %dma_start3A_773 = tpu.memref_slice %arg6[%dma_start3A_762, %dma_start3A_771, %dma_start3A_772] : memref<6x128x128xf32, #tpu.memory_space<vmem>> -> memref<1x128x128xf32, #tpu.memory_space<vmem>>
      %dma_start3A_774 = tpu.memref_squeeze %dma_start3A_773 : memref<1x128x128xf32, #tpu.memory_space<vmem>> -> memref<128x128xf32, #tpu.memory_space<vmem>>
      tpu.enqueue_dma source(%dma_start3A_774 : memref<128x128xf32, #tpu.memory_space<vmem>>) target(%dma_start3A_770 : memref<128x128xf32, #tpu.memory_space<hbm>>) target_semaphore(%arg17 : memref<!tpu.dma_semaphore, #tpu.memory_space<semaphore_mem>>)
      %mul3A_775 = arith.constant 6 : i32
      %mul3A_776 = arith.muli %mul3A_775, %scan3A_445 : i32
      %add3A_777 = arith.constant 4 : i32
      %add3A_778 = arith.addi %mul3A_776, %add3A_777 : i32
      %add3A_779 = arith.constant 5 : i32
      %add3A_780 = arith.addi %add3A_778, %add3A_779 : i32
      %add3A_781 = arith.constant 4 : i32
      %add3A_782 = arith.addi %add3A_780, %add3A_781 : i32
      %sub3A_783 = arith.constant 6 : i32
      %sub3A_784 = arith.subi %add3A_782, %sub3A_783 : i32
      %mul3A_785 = arith.constant 128 : i32
      %mul3A_786 = arith.muli %sub3A_784, %mul3A_785 : i32
      %add3A_787 = arith.addi %mul3A_9, %mul3A_786 : i32
      %dma_wait3A_788 = arith.constant 1 : i32
      %dma_wait3A_789 = arith.constant 0 : i32
      %dma_wait3A_790 = arith.constant 0 : i32
      %dma_wait3A_791 = tpu.memref_slice %arg6[%dma_wait3A_788, %dma_wait3A_789, %dma_wait3A_790] : memref<6x128x128xf32, #tpu.memory_space<vmem>> -> memref<1x128x128xf32, #tpu.memory_space<vmem>>
      %dma_wait3A_792 = tpu.memref_squeeze %dma_wait3A_791 : memref<1x128x128xf32, #tpu.memory_space<vmem>> -> memref<128x128xf32, #tpu.memory_space<vmem>>
      %dma_wait3A_793 = arith.constant 0 : i32
      %dma_wait3A_794 = tpu.memref_slice %arg4[%add3A_787, %dma_wait3A_793] : memref<819200x128xf32, #tpu.memory_space<hbm>> -> memref<128x128xf32, #tpu.memory_space<hbm>>
      %dma_wait3A_795 = arith.constant 0 : i32
      %dma_wait3A_796 = tpu.memref_slice %arg4[%add3A_787, %dma_wait3A_795] : memref<819200x128xf32, #tpu.memory_space<hbm>> -> memref<128x128xf32, #tpu.memory_space<hbm>>
      %dma_wait3A_797 = arith.constant 0 : i32
      %dma_wait3A_798 = arith.constant 0 : i32
      %dma_wait3A_799 = tpu.memref_slice %arg6[%dma_wait3A_788, %dma_wait3A_797, %dma_wait3A_798] : memref<6x128x128xf32, #tpu.memory_space<vmem>> -> memref<1x128x128xf32, #tpu.memory_space<vmem>>
      %dma_wait3A_800 = tpu.memref_squeeze %dma_wait3A_799 : memref<1x128x128xf32, #tpu.memory_space<vmem>> -> memref<128x128xf32, #tpu.memory_space<vmem>>
      tpu.wait_dma2 semaphore(%arg16 : memref<!tpu.dma_semaphore, #tpu.memory_space<semaphore_mem>>) src(%dma_wait3A_800 : memref<128x128xf32, #tpu.memory_space<vmem>>) dst(%dma_wait3A_796 : memref<128x128xf32, #tpu.memory_space<hbm>>)
      %add3A_801 = arith.constant 4 : i32
      %add3A_802 = arith.addi %add3A_780, %add3A_801 : i32
      %dma_start3A_803 = arith.constant 1 : i32
      %dma_start3A_804 = arith.constant 0 : i32
      %dma_start3A_805 = arith.constant 0 : i32
      %dma_start3A_806 = tpu.memref_slice %arg6[%dma_start3A_803, %dma_start3A_804, %dma_start3A_805] : memref<6x128x128xf32, #tpu.memory_space<vmem>> -> memref<1x128x128xf32, #tpu.memory_space<vmem>>
      %dma_start3A_807 = tpu.memref_squeeze %dma_start3A_806 : memref<1x128x128xf32, #tpu.memory_space<vmem>> -> memref<128x128xf32, #tpu.memory_space<vmem>>
      %dma_start3A_808 = arith.constant 0 : i32
      %dma_start3A_809 = tpu.memref_slice %arg5[%add3A_802, %dma_start3A_808] : memref<200x128xi32, #tpu.memory_space<vmem>> -> memref<1x128xi32, #tpu.memory_space<vmem>>
      %dma_start3A_810 = tpu.memref_squeeze %dma_start3A_809 : memref<1x128xi32, #tpu.memory_space<vmem>> -> memref<128xi32, #tpu.memory_space<vmem>>
      %dma_start3A_811 = arith.constant 0 : i32
      %dma_start3A_812 = arith.constant 0 : i32
      %dma_start3A_813 = tpu.memref_slice %arg7[%dma_start3A_811, %dma_start3A_812] : memref<201x128xf32, #tpu.memory_space<vmem_shared>> -> memref<201x128xf32, #tpu.memory_space<vmem_shared>>
      tpu.enqueue_indirect_dma source(%dma_start3A_813 : memref<201x128xf32, #tpu.memory_space<vmem_shared>>) target(%dma_start3A_807 : memref<128x128xf32, #tpu.memory_space<vmem>>) offsets(%dma_start3A_810 : memref<128xi32, #tpu.memory_space<vmem>>) semaphore(%arg10 : memref<!tpu.dma_semaphore, #tpu.memory_space<semaphore_mem>>)
      %dma_wait3A_814 = arith.constant 3 : i32
      %dma_wait3A_815 = arith.constant 0 : i32
      %dma_wait3A_816 = arith.constant 0 : i32
      %dma_wait3A_817 = tpu.memref_slice %arg6[%dma_wait3A_814, %dma_wait3A_815, %dma_wait3A_816] : memref<6x128x128xf32, #tpu.memory_space<vmem>> -> memref<1x128x128xf32, #tpu.memory_space<vmem>>
      %dma_wait3A_818 = tpu.memref_squeeze %dma_wait3A_817 : memref<1x128x128xf32, #tpu.memory_space<vmem>> -> memref<128x128xf32, #tpu.memory_space<vmem>>
      %dma_wait3A_819 = arith.constant 0 : i32
      %dma_wait3A_820 = tpu.memref_slice %arg5[%add3A_780, %dma_wait3A_819] : memref<200x128xi32, #tpu.memory_space<vmem>> -> memref<1x128xi32, #tpu.memory_space<vmem>>
      %dma_wait3A_821 = tpu.memref_squeeze %dma_wait3A_820 : memref<1x128xi32, #tpu.memory_space<vmem>> -> memref<128xi32, #tpu.memory_space<vmem>>
      %dma_wait3A_822 = arith.constant 0 : i32
      %dma_wait3A_823 = arith.constant 0 : i32
      %dma_wait3A_824 = tpu.memref_slice %arg7[%dma_wait3A_822, %dma_wait3A_823] : memref<201x128xf32, #tpu.memory_space<vmem_shared>> -> memref<201x128xf32, #tpu.memory_space<vmem_shared>>
      tpu.wait_indirect_dma semaphore(%arg12 : memref<!tpu.dma_semaphore, #tpu.memory_space<semaphore_mem>>) src(%dma_wait3A_824 : memref<201x128xf32, #tpu.memory_space<vmem_shared>>) dst(%dma_wait3A_818 : memref<128x128xf32, #tpu.memory_space<vmem>>)
      %mul3A_825 = arith.constant 128 : i32
      %mul3A_826 = arith.muli %add3A_780, %mul3A_825 : i32
      %add3A_827 = arith.addi %mul3A_9, %mul3A_826 : i32
      %dma_start3A_828 = arith.constant 3 : i32
      %dma_start3A_829 = arith.constant 0 : i32
      %dma_start3A_830 = arith.constant 0 : i32
      %dma_start3A_831 = tpu.memref_slice %arg6[%dma_start3A_828, %dma_start3A_829, %dma_start3A_830] : memref<6x128x128xf32, #tpu.memory_space<vmem>> -> memref<1x128x128xf32, #tpu.memory_space<vmem>>
      %dma_start3A_832 = tpu.memref_squeeze %dma_start3A_831 : memref<1x128x128xf32, #tpu.memory_space<vmem>> -> memref<128x128xf32, #tpu.memory_space<vmem>>
      %dma_start3A_833 = arith.constant 0 : i32
      %dma_start3A_834 = tpu.memref_slice %arg4[%add3A_827, %dma_start3A_833] : memref<819200x128xf32, #tpu.memory_space<hbm>> -> memref<128x128xf32, #tpu.memory_space<hbm>>
      %dma_start3A_835 = arith.constant 0 : i32
      %dma_start3A_836 = tpu.memref_slice %arg4[%add3A_827, %dma_start3A_835] : memref<819200x128xf32, #tpu.memory_space<hbm>> -> memref<128x128xf32, #tpu.memory_space<hbm>>
      %dma_start3A_837 = arith.constant 0 : i32
      %dma_start3A_838 = arith.constant 0 : i32
      %dma_start3A_839 = tpu.memref_slice %arg6[%dma_start3A_828, %dma_start3A_837, %dma_start3A_838] : memref<6x128x128xf32, #tpu.memory_space<vmem>> -> memref<1x128x128xf32, #tpu.memory_space<vmem>>
      %dma_start3A_840 = tpu.memref_squeeze %dma_start3A_839 : memref<1x128x128xf32, #tpu.memory_space<vmem>> -> memref<128x128xf32, #tpu.memory_space<vmem>>
      tpu.enqueue_dma source(%dma_start3A_840 : memref<128x128xf32, #tpu.memory_space<vmem>>) target(%dma_start3A_836 : memref<128x128xf32, #tpu.memory_space<hbm>>) target_semaphore(%arg18 : memref<!tpu.dma_semaphore, #tpu.memory_space<semaphore_mem>>)
    }
    %scan3A_246 = arith.constant 32 : i32
    %add3A_247 = arith.constant 24832 : i32
    %add3A_248 = arith.addi %mul3A_9, %add3A_247 : i32
    %dma_wait3A_249 = arith.constant 2 : i32
    %dma_wait3A_250 = arith.constant 0 : i32
    %dma_wait3A_251 = arith.constant 0 : i32
    %dma_wait3A_252 = tpu.memref_slice %arg6[%dma_wait3A_249, %dma_wait3A_250, %dma_wait3A_251] : memref<6x128x128xf32, #tpu.memory_space<vmem>> -> memref<1x128x128xf32, #tpu.memory_space<vmem>>
    %dma_wait3A_253 = tpu.memref_squeeze %dma_wait3A_252 : memref<1x128x128xf32, #tpu.memory_space<vmem>> -> memref<128x128xf32, #tpu.memory_space<vmem>>
    %dma_wait3A_254 = arith.constant 0 : i32
    %dma_wait3A_255 = tpu.memref_slice %arg4[%add3A_248, %dma_wait3A_254] : memref<819200x128xf32, #tpu.memory_space<hbm>> -> memref<128x128xf32, #tpu.memory_space<hbm>>
    %dma_wait3A_256 = arith.constant 0 : i32
    %dma_wait3A_257 = tpu.memref_slice %arg4[%add3A_248, %dma_wait3A_256] : memref<819200x128xf32, #tpu.memory_space<hbm>> -> memref<128x128xf32, #tpu.memory_space<hbm>>
    %dma_wait3A_258 = arith.constant 0 : i32
    %dma_wait3A_259 = arith.constant 0 : i32
    %dma_wait3A_260 = tpu.memref_slice %arg6[%dma_wait3A_249, %dma_wait3A_258, %dma_wait3A_259] : memref<6x128x128xf32, #tpu.memory_space<vmem>> -> memref<1x128x128xf32, #tpu.memory_space<vmem>>
    %dma_wait3A_261 = tpu.memref_squeeze %dma_wait3A_260 : memref<1x128x128xf32, #tpu.memory_space<vmem>> -> memref<128x128xf32, #tpu.memory_space<vmem>>
    tpu.wait_dma2 semaphore(%arg17 : memref<!tpu.dma_semaphore, #tpu.memory_space<semaphore_mem>>) src(%dma_wait3A_261 : memref<128x128xf32, #tpu.memory_space<vmem>>) dst(%dma_wait3A_257 : memref<128x128xf32, #tpu.memory_space<hbm>>)
    %dma_wait3A_262 = arith.constant 196 : i32
    %dma_wait3A_263 = arith.constant 4 : i32
    %dma_wait3A_264 = arith.constant 0 : i32
    %dma_wait3A_265 = arith.constant 0 : i32
    %dma_wait3A_266 = tpu.memref_slice %arg6[%dma_wait3A_263, %dma_wait3A_264, %dma_wait3A_265] : memref<6x128x128xf32, #tpu.memory_space<vmem>> -> memref<1x128x128xf32, #tpu.memory_space<vmem>>
    %dma_wait3A_267 = tpu.memref_squeeze %dma_wait3A_266 : memref<1x128x128xf32, #tpu.memory_space<vmem>> -> memref<128x128xf32, #tpu.memory_space<vmem>>
    %dma_wait3A_268 = arith.constant 0 : i32
    %dma_wait3A_269 = tpu.memref_slice %arg5[%dma_wait3A_262, %dma_wait3A_268] : memref<200x128xi32, #tpu.memory_space<vmem>> -> memref<1x128xi32, #tpu.memory_space<vmem>>
    %dma_wait3A_270 = tpu.memref_squeeze %dma_wait3A_269 : memref<1x128xi32, #tpu.memory_space<vmem>> -> memref<128xi32, #tpu.memory_space<vmem>>
    %dma_wait3A_271 = arith.constant 0 : i32
    %dma_wait3A_272 = arith.constant 0 : i32
    %dma_wait3A_273 = tpu.memref_slice %arg7[%dma_wait3A_271, %dma_wait3A_272] : memref<201x128xf32, #tpu.memory_space<vmem_shared>> -> memref<201x128xf32, #tpu.memory_space<vmem_shared>>
    tpu.wait_indirect_dma semaphore(%arg13 : memref<!tpu.dma_semaphore, #tpu.memory_space<semaphore_mem>>) src(%dma_wait3A_273 : memref<201x128xf32, #tpu.memory_space<vmem_shared>>) dst(%dma_wait3A_267 : memref<128x128xf32, #tpu.memory_space<vmem>>)
    %add3A_274 = arith.constant 25088 : i32
    %add3A_275 = arith.addi %mul3A_9, %add3A_274 : i32
    %dma_start3A_276 = arith.constant 4 : i32
    %dma_start3A_277 = arith.constant 0 : i32
    %dma_start3A_278 = arith.constant 0 : i32
    %dma_start3A_279 = tpu.memref_slice %arg6[%dma_start3A_276, %dma_start3A_277, %dma_start3A_278] : memref<6x128x128xf32, #tpu.memory_space<vmem>> -> memref<1x128x128xf32, #tpu.memory_space<vmem>>
    %dma_start3A_280 = tpu.memref_squeeze %dma_start3A_279 : memref<1x128x128xf32, #tpu.memory_space<vmem>> -> memref<128x128xf32, #tpu.memory_space<vmem>>
    %dma_start3A_281 = arith.constant 0 : i32
    %dma_start3A_282 = tpu.memref_slice %arg4[%add3A_275, %dma_start3A_281] : memref<819200x128xf32, #tpu.memory_space<hbm>> -> memref<128x128xf32, #tpu.memory_space<hbm>>
    %dma_start3A_283 = arith.constant 0 : i32
    %dma_start3A_284 = tpu.memref_slice %arg4[%add3A_275, %dma_start3A_283] : memref<819200x128xf32, #tpu.memory_space<hbm>> -> memref<128x128xf32, #tpu.memory_space<hbm>>
    %dma_start3A_285 = arith.constant 0 : i32
    %dma_start3A_286 = arith.constant 0 : i32
    %dma_start3A_287 = tpu.memref_slice %arg6[%dma_start3A_276, %dma_start3A_285, %dma_start3A_286] : memref<6x128x128xf32, #tpu.memory_space<vmem>> -> memref<1x128x128xf32, #tpu.memory_space<vmem>>
    %dma_start3A_288 = tpu.memref_squeeze %dma_start3A_287 : memref<1x128x128xf32, #tpu.memory_space<vmem>> -> memref<128x128xf32, #tpu.memory_space<vmem>>
    tpu.enqueue_dma source(%dma_start3A_288 : memref<128x128xf32, #tpu.memory_space<vmem>>) target(%dma_start3A_284 : memref<128x128xf32, #tpu.memory_space<hbm>>) target_semaphore(%arg19 : memref<!tpu.dma_semaphore, #tpu.memory_space<semaphore_mem>>)
    %add3A_289 = arith.constant 24960 : i32
    %add3A_290 = arith.addi %mul3A_9, %add3A_289 : i32
    %dma_wait3A_291 = arith.constant 3 : i32
    %dma_wait3A_292 = arith.constant 0 : i32
    %dma_wait3A_293 = arith.constant 0 : i32
    %dma_wait3A_294 = tpu.memref_slice %arg6[%dma_wait3A_291, %dma_wait3A_292, %dma_wait3A_293] : memref<6x128x128xf32, #tpu.memory_space<vmem>> -> memref<1x128x128xf32, #tpu.memory_space<vmem>>
    %dma_wait3A_295 = tpu.memref_squeeze %dma_wait3A_294 : memref<1x128x128xf32, #tpu.memory_space<vmem>> -> memref<128x128xf32, #tpu.memory_space<vmem>>
    %dma_wait3A_296 = arith.constant 0 : i32
    %dma_wait3A_297 = tpu.memref_slice %arg4[%add3A_290, %dma_wait3A_296] : memref<819200x128xf32, #tpu.memory_space<hbm>> -> memref<128x128xf32, #tpu.memory_space<hbm>>
    %dma_wait3A_298 = arith.constant 0 : i32
    %dma_wait3A_299 = tpu.memref_slice %arg4[%add3A_290, %dma_wait3A_298] : memref<819200x128xf32, #tpu.memory_space<hbm>> -> memref<128x128xf32, #tpu.memory_space<hbm>>
    %dma_wait3A_300 = arith.constant 0 : i32
    %dma_wait3A_301 = arith.constant 0 : i32
    %dma_wait3A_302 = tpu.memref_slice %arg6[%dma_wait3A_291, %dma_wait3A_300, %dma_wait3A_301] : memref<6x128x128xf32, #tpu.memory_space<vmem>> -> memref<1x128x128xf32, #tpu.memory_space<vmem>>
    %dma_wait3A_303 = tpu.memref_squeeze %dma_wait3A_302 : memref<1x128x128xf32, #tpu.memory_space<vmem>> -> memref<128x128xf32, #tpu.memory_space<vmem>>
    tpu.wait_dma2 semaphore(%arg18 : memref<!tpu.dma_semaphore, #tpu.memory_space<semaphore_mem>>) src(%dma_wait3A_303 : memref<128x128xf32, #tpu.memory_space<vmem>>) dst(%dma_wait3A_299 : memref<128x128xf32, #tpu.memory_space<hbm>>)
    %dma_wait3A_304 = arith.constant 197 : i32
    %dma_wait3A_305 = arith.constant 5 : i32
    %dma_wait3A_306 = arith.constant 0 : i32
    %dma_wait3A_307 = arith.constant 0 : i32
    %dma_wait3A_308 = tpu.memref_slice %arg6[%dma_wait3A_305, %dma_wait3A_306, %dma_wait3A_307] : memref<6x128x128xf32, #tpu.memory_space<vmem>> -> memref<1x128x128xf32, #tpu.memory_space<vmem>>
    %dma_wait3A_309 = tpu.memref_squeeze %dma_wait3A_308 : memref<1x128x128xf32, #tpu.memory_space<vmem>> -> memref<128x128xf32, #tpu.memory_space<vmem>>
    %dma_wait3A_310 = arith.constant 0 : i32
    %dma_wait3A_311 = tpu.memref_slice %arg5[%dma_wait3A_304, %dma_wait3A_310] : memref<200x128xi32, #tpu.memory_space<vmem>> -> memref<1x128xi32, #tpu.memory_space<vmem>>
    %dma_wait3A_312 = tpu.memref_squeeze %dma_wait3A_311 : memref<1x128xi32, #tpu.memory_space<vmem>> -> memref<128xi32, #tpu.memory_space<vmem>>
    %dma_wait3A_313 = arith.constant 0 : i32
    %dma_wait3A_314 = arith.constant 0 : i32
    %dma_wait3A_315 = tpu.memref_slice %arg7[%dma_wait3A_313, %dma_wait3A_314] : memref<201x128xf32, #tpu.memory_space<vmem_shared>> -> memref<201x128xf32, #tpu.memory_space<vmem_shared>>
    tpu.wait_indirect_dma semaphore(%arg14 : memref<!tpu.dma_semaphore, #tpu.memory_space<semaphore_mem>>) src(%dma_wait3A_315 : memref<201x128xf32, #tpu.memory_space<vmem_shared>>) dst(%dma_wait3A_309 : memref<128x128xf32, #tpu.memory_space<vmem>>)
    %add3A_316 = arith.constant 25216 : i32
    %add3A_317 = arith.addi %mul3A_9, %add3A_316 : i32
    %dma_start3A_318 = arith.constant 5 : i32
    %dma_start3A_319 = arith.constant 0 : i32
    %dma_start3A_320 = arith.constant 0 : i32
    %dma_start3A_321 = tpu.memref_slice %arg6[%dma_start3A_318, %dma_start3A_319, %dma_start3A_320] : memref<6x128x128xf32, #tpu.memory_space<vmem>> -> memref<1x128x128xf32, #tpu.memory_space<vmem>>
    %dma_start3A_322 = tpu.memref_squeeze %dma_start3A_321 : memref<1x128x128xf32, #tpu.memory_space<vmem>> -> memref<128x128xf32, #tpu.memory_space<vmem>>
    %dma_start3A_323 = arith.constant 0 : i32
    %dma_start3A_324 = tpu.memref_slice %arg4[%add3A_317, %dma_start3A_323] : memref<819200x128xf32, #tpu.memory_space<hbm>> -> memref<128x128xf32, #tpu.memory_space<hbm>>
    %dma_start3A_325 = arith.constant 0 : i32
    %dma_start3A_326 = tpu.memref_slice %arg4[%add3A_317, %dma_start3A_325] : memref<819200x128xf32, #tpu.memory_space<hbm>> -> memref<128x128xf32, #tpu.memory_space<hbm>>
    %dma_start3A_327 = arith.constant 0 : i32
    %dma_start3A_328 = arith.constant 0 : i32
    %dma_start3A_329 = tpu.memref_slice %arg6[%dma_start3A_318, %dma_start3A_327, %dma_start3A_328] : memref<6x128x128xf32, #tpu.memory_space<vmem>> -> memref<1x128x128xf32, #tpu.memory_space<vmem>>
    %dma_start3A_330 = tpu.memref_squeeze %dma_start3A_329 : memref<1x128x128xf32, #tpu.memory_space<vmem>> -> memref<128x128xf32, #tpu.memory_space<vmem>>
    tpu.enqueue_dma source(%dma_start3A_330 : memref<128x128xf32, #tpu.memory_space<vmem>>) target(%dma_start3A_326 : memref<128x128xf32, #tpu.memory_space<hbm>>) target_semaphore(%arg20 : memref<!tpu.dma_semaphore, #tpu.memory_space<semaphore_mem>>)
    %add3A_331 = arith.constant 25088 : i32
    %add3A_332 = arith.addi %mul3A_9, %add3A_331 : i32
    %dma_wait3A_333 = arith.constant 4 : i32
    %dma_wait3A_334 = arith.constant 0 : i32
    %dma_wait3A_335 = arith.constant 0 : i32
    %dma_wait3A_336 = tpu.memref_slice %arg6[%dma_wait3A_333, %dma_wait3A_334, %dma_wait3A_335] : memref<6x128x128xf32, #tpu.memory_space<vmem>> -> memref<1x128x128xf32, #tpu.memory_space<vmem>>
    %dma_wait3A_337 = tpu.memref_squeeze %dma_wait3A_336 : memref<1x128x128xf32, #tpu.memory_space<vmem>> -> memref<128x128xf32, #tpu.memory_space<vmem>>
    %dma_wait3A_338 = arith.constant 0 : i32
    %dma_wait3A_339 = tpu.memref_slice %arg4[%add3A_332, %dma_wait3A_338] : memref<819200x128xf32, #tpu.memory_space<hbm>> -> memref<128x128xf32, #tpu.memory_space<hbm>>
    %dma_wait3A_340 = arith.constant 0 : i32
    %dma_wait3A_341 = tpu.memref_slice %arg4[%add3A_332, %dma_wait3A_340] : memref<819200x128xf32, #tpu.memory_space<hbm>> -> memref<128x128xf32, #tpu.memory_space<hbm>>
    %dma_wait3A_342 = arith.constant 0 : i32
    %dma_wait3A_343 = arith.constant 0 : i32
    %dma_wait3A_344 = tpu.memref_slice %arg6[%dma_wait3A_333, %dma_wait3A_342, %dma_wait3A_343] : memref<6x128x128xf32, #tpu.memory_space<vmem>> -> memref<1x128x128xf32, #tpu.memory_space<vmem>>
    %dma_wait3A_345 = tpu.memref_squeeze %dma_wait3A_344 : memref<1x128x128xf32, #tpu.memory_space<vmem>> -> memref<128x128xf32, #tpu.memory_space<vmem>>
    tpu.wait_dma2 semaphore(%arg19 : memref<!tpu.dma_semaphore, #tpu.memory_space<semaphore_mem>>) src(%dma_wait3A_345 : memref<128x128xf32, #tpu.memory_space<vmem>>) dst(%dma_wait3A_341 : memref<128x128xf32, #tpu.memory_space<hbm>>)
    %dma_wait3A_346 = arith.constant 198 : i32
    %dma_wait3A_347 = arith.constant 0 : i32
    %dma_wait3A_348 = arith.constant 0 : i32
    %dma_wait3A_349 = arith.constant 0 : i32
    %dma_wait3A_350 = tpu.memref_slice %arg6[%dma_wait3A_347, %dma_wait3A_348, %dma_wait3A_349] : memref<6x128x128xf32, #tpu.memory_space<vmem>> -> memref<1x128x128xf32, #tpu.memory_space<vmem>>
    %dma_wait3A_351 = tpu.memref_squeeze %dma_wait3A_350 : memref<1x128x128xf32, #tpu.memory_space<vmem>> -> memref<128x128xf32, #tpu.memory_space<vmem>>
    %dma_wait3A_352 = arith.constant 0 : i32
    %dma_wait3A_353 = tpu.memref_slice %arg5[%dma_wait3A_346, %dma_wait3A_352] : memref<200x128xi32, #tpu.memory_space<vmem>> -> memref<1x128xi32, #tpu.memory_space<vmem>>
    %dma_wait3A_354 = tpu.memref_squeeze %dma_wait3A_353 : memref<1x128xi32, #tpu.memory_space<vmem>> -> memref<128xi32, #tpu.memory_space<vmem>>
    %dma_wait3A_355 = arith.constant 0 : i32
    %dma_wait3A_356 = arith.constant 0 : i32
    %dma_wait3A_357 = tpu.memref_slice %arg7[%dma_wait3A_355, %dma_wait3A_356] : memref<201x128xf32, #tpu.memory_space<vmem_shared>> -> memref<201x128xf32, #tpu.memory_space<vmem_shared>>
    tpu.wait_indirect_dma semaphore(%arg9 : memref<!tpu.dma_semaphore, #tpu.memory_space<semaphore_mem>>) src(%dma_wait3A_357 : memref<201x128xf32, #tpu.memory_space<vmem_shared>>) dst(%dma_wait3A_351 : memref<128x128xf32, #tpu.memory_space<vmem>>)
    %add3A_358 = arith.constant 25344 : i32
    %add3A_359 = arith.addi %mul3A_9, %add3A_358 : i32
    %dma_start3A_360 = arith.constant 0 : i32
    %dma_start3A_361 = arith.constant 0 : i32
    %dma_start3A_362 = arith.constant 0 : i32
    %dma_start3A_363 = tpu.memref_slice %arg6[%dma_start3A_360, %dma_start3A_361, %dma_start3A_362] : memref<6x128x128xf32, #tpu.memory_space<vmem>> -> memref<1x128x128xf32, #tpu.memory_space<vmem>>
    %dma_start3A_364 = tpu.memref_squeeze %dma_start3A_363 : memref<1x128x128xf32, #tpu.memory_space<vmem>> -> memref<128x128xf32, #tpu.memory_space<vmem>>
    %dma_start3A_365 = arith.constant 0 : i32
    %dma_start3A_366 = tpu.memref_slice %arg4[%add3A_359, %dma_start3A_365] : memref<819200x128xf32, #tpu.memory_space<hbm>> -> memref<128x128xf32, #tpu.memory_space<hbm>>
    %dma_start3A_367 = arith.constant 0 : i32
    %dma_start3A_368 = tpu.memref_slice %arg4[%add3A_359, %dma_start3A_367] : memref<819200x128xf32, #tpu.memory_space<hbm>> -> memref<128x128xf32, #tpu.memory_space<hbm>>
    %dma_start3A_369 = arith.constant 0 : i32
    %dma_start3A_370 = arith.constant 0 : i32
    %dma_start3A_371 = tpu.memref_slice %arg6[%dma_start3A_360, %dma_start3A_369, %dma_start3A_370] : memref<6x128x128xf32, #tpu.memory_space<vmem>> -> memref<1x128x128xf32, #tpu.memory_space<vmem>>
    %dma_start3A_372 = tpu.memref_squeeze %dma_start3A_371 : memref<1x128x128xf32, #tpu.memory_space<vmem>> -> memref<128x128xf32, #tpu.memory_space<vmem>>
    tpu.enqueue_dma source(%dma_start3A_372 : memref<128x128xf32, #tpu.memory_space<vmem>>) target(%dma_start3A_368 : memref<128x128xf32, #tpu.memory_space<hbm>>) target_semaphore(%arg15 : memref<!tpu.dma_semaphore, #tpu.memory_space<semaphore_mem>>)
    %add3A_373 = arith.constant 25216 : i32
    %add3A_374 = arith.addi %mul3A_9, %add3A_373 : i32
    %dma_wait3A_375 = arith.constant 5 : i32
    %dma_wait3A_376 = arith.constant 0 : i32
    %dma_wait3A_377 = arith.constant 0 : i32
    %dma_wait3A_378 = tpu.memref_slice %arg6[%dma_wait3A_375, %dma_wait3A_376, %dma_wait3A_377] : memref<6x128x128xf32, #tpu.memory_space<vmem>> -> memref<1x128x128xf32, #tpu.memory_space<vmem>>
    %dma_wait3A_379 = tpu.memref_squeeze %dma_wait3A_378 : memref<1x128x128xf32, #tpu.memory_space<vmem>> -> memref<128x128xf32, #tpu.memory_space<vmem>>
    %dma_wait3A_380 = arith.constant 0 : i32
    %dma_wait3A_381 = tpu.memref_slice %arg4[%add3A_374, %dma_wait3A_380] : memref<819200x128xf32, #tpu.memory_space<hbm>> -> memref<128x128xf32, #tpu.memory_space<hbm>>
    %dma_wait3A_382 = arith.constant 0 : i32
    %dma_wait3A_383 = tpu.memref_slice %arg4[%add3A_374, %dma_wait3A_382] : memref<819200x128xf32, #tpu.memory_space<hbm>> -> memref<128x128xf32, #tpu.memory_space<hbm>>
    %dma_wait3A_384 = arith.constant 0 : i32
    %dma_wait3A_385 = arith.constant 0 : i32
    %dma_wait3A_386 = tpu.memref_slice %arg6[%dma_wait3A_375, %dma_wait3A_384, %dma_wait3A_385] : memref<6x128x128xf32, #tpu.memory_space<vmem>> -> memref<1x128x128xf32, #tpu.memory_space<vmem>>
    %dma_wait3A_387 = tpu.memref_squeeze %dma_wait3A_386 : memref<1x128x128xf32, #tpu.memory_space<vmem>> -> memref<128x128xf32, #tpu.memory_space<vmem>>
    tpu.wait_dma2 semaphore(%arg20 : memref<!tpu.dma_semaphore, #tpu.memory_space<semaphore_mem>>) src(%dma_wait3A_387 : memref<128x128xf32, #tpu.memory_space<vmem>>) dst(%dma_wait3A_383 : memref<128x128xf32, #tpu.memory_space<hbm>>)
    %dma_wait3A_388 = arith.constant 199 : i32
    %dma_wait3A_389 = arith.constant 1 : i32
    %dma_wait3A_390 = arith.constant 0 : i32
    %dma_wait3A_391 = arith.constant 0 : i32
    %dma_wait3A_392 = tpu.memref_slice %arg6[%dma_wait3A_389, %dma_wait3A_390, %dma_wait3A_391] : memref<6x128x128xf32, #tpu.memory_space<vmem>> -> memref<1x128x128xf32, #tpu.memory_space<vmem>>
    %dma_wait3A_393 = tpu.memref_squeeze %dma_wait3A_392 : memref<1x128x128xf32, #tpu.memory_space<vmem>> -> memref<128x128xf32, #tpu.memory_space<vmem>>
    %dma_wait3A_394 = arith.constant 0 : i32
    %dma_wait3A_395 = tpu.memref_slice %arg5[%dma_wait3A_388, %dma_wait3A_394] : memref<200x128xi32, #tpu.memory_space<vmem>> -> memref<1x128xi32, #tpu.memory_space<vmem>>
    %dma_wait3A_396 = tpu.memref_squeeze %dma_wait3A_395 : memref<1x128xi32, #tpu.memory_space<vmem>> -> memref<128xi32, #tpu.memory_space<vmem>>
    %dma_wait3A_397 = arith.constant 0 : i32
    %dma_wait3A_398 = arith.constant 0 : i32
    %dma_wait3A_399 = tpu.memref_slice %arg7[%dma_wait3A_397, %dma_wait3A_398] : memref<201x128xf32, #tpu.memory_space<vmem_shared>> -> memref<201x128xf32, #tpu.memory_space<vmem_shared>>
    tpu.wait_indirect_dma semaphore(%arg10 : memref<!tpu.dma_semaphore, #tpu.memory_space<semaphore_mem>>) src(%dma_wait3A_399 : memref<201x128xf32, #tpu.memory_space<vmem_shared>>) dst(%dma_wait3A_393 : memref<128x128xf32, #tpu.memory_space<vmem>>)
    %add3A_400 = arith.constant 25472 : i32
    %add3A_401 = arith.addi %mul3A_9, %add3A_400 : i32
    %dma_start3A_402 = arith.constant 1 : i32
    %dma_start3A_403 = arith.constant 0 : i32
    %dma_start3A_404 = arith.constant 0 : i32
    %dma_start3A_405 = tpu.memref_slice %arg6[%dma_start3A_402, %dma_start3A_403, %dma_start3A_404] : memref<6x128x128xf32, #tpu.memory_space<vmem>> -> memref<1x128x128xf32, #tpu.memory_space<vmem>>
    %dma_start3A_406 = tpu.memref_squeeze %dma_start3A_405 : memref<1x128x128xf32, #tpu.memory_space<vmem>> -> memref<128x128xf32, #tpu.memory_space<vmem>>
    %dma_start3A_407 = arith.constant 0 : i32
    %dma_start3A_408 = tpu.memref_slice %arg4[%add3A_401, %dma_start3A_407] : memref<819200x128xf32, #tpu.memory_space<hbm>> -> memref<128x128xf32, #tpu.memory_space<hbm>>
    %dma_start3A_409 = arith.constant 0 : i32
    %dma_start3A_410 = tpu.memref_slice %arg4[%add3A_401, %dma_start3A_409] : memref<819200x128xf32, #tpu.memory_space<hbm>> -> memref<128x128xf32, #tpu.memory_space<hbm>>
    %dma_start3A_411 = arith.constant 0 : i32
    %dma_start3A_412 = arith.constant 0 : i32
    %dma_start3A_413 = tpu.memref_slice %arg6[%dma_start3A_402, %dma_start3A_411, %dma_start3A_412] : memref<6x128x128xf32, #tpu.memory_space<vmem>> -> memref<1x128x128xf32, #tpu.memory_space<vmem>>
    %dma_start3A_414 = tpu.memref_squeeze %dma_start3A_413 : memref<1x128x128xf32, #tpu.memory_space<vmem>> -> memref<128x128xf32, #tpu.memory_space<vmem>>
    tpu.enqueue_dma source(%dma_start3A_414 : memref<128x128xf32, #tpu.memory_space<vmem>>) target(%dma_start3A_410 : memref<128x128xf32, #tpu.memory_space<hbm>>) target_semaphore(%arg16 : memref<!tpu.dma_semaphore, #tpu.memory_space<semaphore_mem>>)
    %add3A_415 = arith.constant 25344 : i32
    %add3A_416 = arith.addi %mul3A_9, %add3A_415 : i32
    %dma_wait3A_417 = arith.constant 0 : i32
    %dma_wait3A_418 = arith.constant 0 : i32
    %dma_wait3A_419 = arith.constant 0 : i32
    %dma_wait3A_420 = tpu.memref_slice %arg6[%dma_wait3A_417, %dma_wait3A_418, %dma_wait3A_419] : memref<6x128x128xf32, #tpu.memory_space<vmem>> -> memref<1x128x128xf32, #tpu.memory_space<vmem>>
    %dma_wait3A_421 = tpu.memref_squeeze %dma_wait3A_420 : memref<1x128x128xf32, #tpu.memory_space<vmem>> -> memref<128x128xf32, #tpu.memory_space<vmem>>
    %dma_wait3A_422 = arith.constant 0 : i32
    %dma_wait3A_423 = tpu.memref_slice %arg4[%add3A_416, %dma_wait3A_422] : memref<819200x128xf32, #tpu.memory_space<hbm>> -> memref<128x128xf32, #tpu.memory_space<hbm>>
    %dma_wait3A_424 = arith.constant 0 : i32
    %dma_wait3A_425 = tpu.memref_slice %arg4[%add3A_416, %dma_wait3A_424] : memref<819200x128xf32, #tpu.memory_space<hbm>> -> memref<128x128xf32, #tpu.memory_space<hbm>>
    %dma_wait3A_426 = arith.constant 0 : i32
    %dma_wait3A_427 = arith.constant 0 : i32
    %dma_wait3A_428 = tpu.memref_slice %arg6[%dma_wait3A_417, %dma_wait3A_426, %dma_wait3A_427] : memref<6x128x128xf32, #tpu.memory_space<vmem>> -> memref<1x128x128xf32, #tpu.memory_space<vmem>>
    %dma_wait3A_429 = tpu.memref_squeeze %dma_wait3A_428 : memref<1x128x128xf32, #tpu.memory_space<vmem>> -> memref<128x128xf32, #tpu.memory_space<vmem>>
    tpu.wait_dma2 semaphore(%arg15 : memref<!tpu.dma_semaphore, #tpu.memory_space<semaphore_mem>>) src(%dma_wait3A_429 : memref<128x128xf32, #tpu.memory_space<vmem>>) dst(%dma_wait3A_425 : memref<128x128xf32, #tpu.memory_space<hbm>>)
    %add3A_430 = arith.constant 25472 : i32
    %add3A_431 = arith.addi %mul3A_9, %add3A_430 : i32
    %dma_wait3A_432 = arith.constant 1 : i32
    %dma_wait3A_433 = arith.constant 0 : i32
    %dma_wait3A_434 = arith.constant 0 : i32
    %dma_wait3A_435 = tpu.memref_slice %arg6[%dma_wait3A_432, %dma_wait3A_433, %dma_wait3A_434] : memref<6x128x128xf32, #tpu.memory_space<vmem>> -> memref<1x128x128xf32, #tpu.memory_space<vmem>>
    %dma_wait3A_436 = tpu.memref_squeeze %dma_wait3A_435 : memref<1x128x128xf32, #tpu.memory_space<vmem>> -> memref<128x128xf32, #tpu.memory_space<vmem>>
    %dma_wait3A_437 = arith.constant 0 : i32
    %dma_wait3A_438 = tpu.memref_slice %arg4[%add3A_431, %dma_wait3A_437] : memref<819200x128xf32, #tpu.memory_space<hbm>> -> memref<128x128xf32, #tpu.memory_space<hbm>>
    %dma_wait3A_439 = arith.constant 0 : i32
    %dma_wait3A_440 = tpu.memref_slice %arg4[%add3A_431, %dma_wait3A_439] : memref<819200x128xf32, #tpu.memory_space<hbm>> -> memref<128x128xf32, #tpu.memory_space<hbm>>
    %dma_wait3A_441 = arith.constant 0 : i32
    %dma_wait3A_442 = arith.constant 0 : i32
    %dma_wait3A_443 = tpu.memref_slice %arg6[%dma_wait3A_432, %dma_wait3A_441, %dma_wait3A_442] : memref<6x128x128xf32, #tpu.memory_space<vmem>> -> memref<1x128x128xf32, #tpu.memory_space<vmem>>
    %dma_wait3A_444 = tpu.memref_squeeze %dma_wait3A_443 : memref<1x128x128xf32, #tpu.memory_space<vmem>> -> memref<128x128xf32, #tpu.memory_space<vmem>>
    tpu.wait_dma2 semaphore(%arg16 : memref<!tpu.dma_semaphore, #tpu.memory_space<semaphore_mem>>) src(%dma_wait3A_444 : memref<128x128xf32, #tpu.memory_space<vmem>>) dst(%dma_wait3A_440 : memref<128x128xf32, #tpu.memory_space<hbm>>)
    return
  }
}

</mosaic_0001>

<sc_bundles>
// kernel: kernel.3.cloned.1.call-start
scs
__scs_entry_jumppad:
0x0: {  	(pc) =	sbr.rel $0x88, $3  }
0x1: {  	(tag) =	ssettag $0x0;
	lr =	simm.s32 $0x1  }
0x2: {  	[smem:$0x3F9F] =	sst lr;
	_ =	strace $0xD0000000  }
0x3: {  	_ = 	snop  }
0x4: {  	_ = 	snop  }
0x5: {  	_ = 	snop  }
0x6: {  	_ = 	snop  }
0x7: {  	_ = 	snop  }
__scs_overlays_trampoline_lowered:
0x8: {  	[smem:$0x3FAE] =	sst s0  }
0x9: {  	[smem:$0x3FAF] =	sst s1  }
0xa: {  	[smem:$0x3FB0] =	sst s2  }
0xb: {  	[smem:$0x3FB1] =	sst s3  }
0xc: {  	[smem:$0x3FB2] =	sst s4  }
0xd: {  	[smem:$0x3FB3] =	sst s5  }
0xe: {  	[smem:$0x3FB4] =	sst s6  }
0xf: {  	[smem:$0x3FB5] =	sst s7  }
0x10: {  	[smem:$0x3FB6] =	sst s8  }
0x11: {  	[smem:$0x3FB7] =	sst s9;
	s0 =	simm.s32 @!p0 $0x0  }
0x12: {  	s1 =	sld [smem:$0x3F9D];
	s0 =	simm.s32 @p0 $0x1  }
0x13: {  	[smem:$0x3FB8] =	sst s0;
	s0 =	simm.s32 @!p1 $0x0  }
0x14: {  	s2 =	sld [smem:$0x3F9C];
	s0 =	simm.s32 @p1 $0x1  }
0x15: {  	[smem:$0x3FB9] =	sst s0;
	s0 =	simm.s32 @!p2 $0x0  }
0x16: {  	s3 =	sld [smem:$0x3FDB];
	s0 =	simm.s32 @p2 $0x1  }
0x17: {  	s4 =	simm.s32 $0x1BF5;
	[smem:$0x3FBB] =	sst s0  }
0x18: {  	s0 =	sld [smem:$0x3F9E];
	_ =	swait.ge [sflag:s4], $0x0  }
0x19: {  	s7 =	sld [smem:$0x3F9F]  }
0x1a: {  	s8 =	sadd.s32 $0xFFFFE003, lr  }
0x1b: {  	s9 =	sadd.s32 $0xFFFFFEF7, lr;
	s5 =	simm.s32 $0xFFFFFFFF;
	p2 =	slt.u32 s8, $0xFFFFF086  }
0x1c: {  	p1 =	slt.u32 s9, $0xF7A;
	s5 =	simm.s32 @!p2 $0x0  }
0x1d: {  	s5 =	simm.s32 @p1 $0x1;
	p0 =	seq.s32 s7, s2  }
0x1e: {  	s7 =	smul.u32 @!p0 $0xF7A, s2;
	p2 =	seq.s32 @!p0 s5, $0x0  }
0x1f: {  	s9 =	smul.u32 $0xF7A, s1;
	s8 =	simm.s32 @!p0 $0x1BF5;
	p2 =	por !p2, p0  }
0x20: {  	[sflag:s8] =	ssyncset.s32 @!p0 $0xFFFFF086;
	s6 =	sadd.s32 @!p0 s3, s7;
	s7 =	simm.s32 @!p0 $0x108  }
0x21: {  	s3 =	sadd.s32 s3, s9;
	s6 =	sadd.s32 @!p0 $0x88, s6;
	s7 =	simm.s32 @p2 $0x1082  }
0x22: {  	[simem:s7], [sflag:s8] =	dma.local @!p0 [hbm:s6], $0xF7A  }
0x23: {  	s9 =	sor.u32 $0xD0000000, s2;
	s6 =	simm.s32 $0x108;
	_ =	swait.ge @!p0 [sflag:s8], $0x0  }
0x24: {  	s3 =	sadd.s32 $0x88, s3;
	s6 =	simm.s32 @!p1 $0x1082;
	[sflag:s4] =	ssyncset.s32 $0xFFFFF086  }
0x25: {  	[simem:s6], [sflag:s4] =	dma.local [hbm:s3], $0xF7A  }
0x26: {  	[smem:$0x3F9F] =	sst s1;
	(tag) =	ssettag s2;
	_ =	strace s9  }
0x27: {  	s1 =	sld [smem:$0x3FAF]  }
0x28: {  	s2 =	sld [smem:$0x3FB0]  }
0x29: {  	s4 =	sld [smem:$0x3FB2]  }
0x2a: {  	p0 =	seq.s32 s5, $0x0;
	s5 =	sld [smem:$0x3FB3]  }
0x2b: {  	s6 =	sld [smem:$0x3FB4]  }
0x2c: {  	s7 =	sld [smem:$0x3FB5]  }
0x2d: {  	s3 =	simm.s32 $0x108;
	s8 =	sld [smem:$0x3FB6]  }
0x2e: {  	s3 =	simm.s32 @!p0 $0x1082;
	s9 =	sld [smem:$0x3FB7]  }
0x2f: {  	lr =	sadd.s32 s0, s3;
	s0 =	sld [smem:$0x3FAE]  }
0x30: {  	s3 =	sld [smem:$0x3FB1]  }
0x31: {  	[smem:$0x3FBA] =	sst s10  }
0x32: {  	s10 =	sld [smem:$0x3FB8];
	_ =	sdelay $0x3  }
0x33: {  	p0 =	seq.s32 s10, $0x1;
	s10 =	sld [smem:$0x3FBA];
	_ =	sdelay $0x3  }
0x34: {  	[smem:$0x3FBA] =	sst s10  }
0x35: {  	s10 =	sld [smem:$0x3FB9];
	_ =	sdelay $0x3  }
0x36: {  	p1 =	seq.s32 s10, $0x1;
	s10 =	sld [smem:$0x3FBA];
	_ =	sdelay $0x3  }
0x37: {  	[smem:$0x3FBA] =	sst s10  }
0x38: {  	s10 =	sld [smem:$0x3FBB]  }
0x39: {  	_ = 	snop;
	(pc) =	sbr.ind lr, $3  }
0x3a: {  	_ = 	snop  }
0x3b: {  	_ = 	snop  }
0x3c: {  	p2 =	seq.s32 s10, $0x1;
	s10 =	sld [smem:$0x3FBA]  }
0x3d: {  	_ =	shalt  }
0x3e: {  	_ =	shalt  }
0x3f: {  	_ =	shalt  }
0x40: {  	_ =	shalt  }
0x41: {  	_ =	shalt  }
0x42: {  	_ =	shalt  }
0x43: {  	_ =	shalt  }
0x44: {  	_ =	shalt  }
0x45: {  	_ =	shalt  }
0x46: {  	_ =	shalt  }
0x47: {  	_ =	shalt  }
0x48: {  	_ =	shalt  }
0x49: {  	_ =	shalt  }
0x4a: {  	_ =	shalt  }
0x4b: {  	_ =	shalt  }
0x4c: {  	_ =	shalt  }
0x4d: {  	_ =	shalt  }
0x4e: {  	_ =	shalt  }
0x4f: {  	_ =	shalt  }
0x50: {  	_ =	shalt  }
0x51: {  	_ =	shalt  }
0x52: {  	_ =	shalt  }
0x53: {  	_ =	shalt  }
0x54: {  	_ =	shalt  }
0x55: {  	_ =	shalt  }
0x56: {  	_ =	shalt  }
0x57: {  	_ =	shalt  }
0x58: {  	_ =	shalt  }
0x59: {  	_ =	shalt  }
0x5a: {  	_ =	shalt  }
0x5b: {  	_ =	shalt  }
0x5c: {  	_ =	shalt  }
0x5d: {  	_ =	shalt  }
0x5e: {  	_ =	shalt  }
0x5f: {  	_ =	shalt  }
0x60: {  	_ =	shalt  }
0x61: {  	_ =	shalt  }
0x62: {  	_ =	shalt  }
0x63: {  	_ =	shalt  }
0x64: {  	_ =	shalt  }
0x65: {  	_ =	shalt  }
0x66: {  	_ =	shalt  }
0x67: {  	_ =	shalt  }
0x68: {  	_ =	shalt  }
0x69: {  	_ =	shalt  }
0x6a: {  	_ =	shalt  }
0x6b: {  	_ =	shalt  }
0x6c: {  	_ =	shalt  }
0x6d: {  	_ =	shalt  }
0x6e: {  	_ =	shalt  }
0x6f: {  	_ =	shalt  }
0x70: {  	_ =	shalt  }
0x71: {  	_ =	shalt  }
0x72: {  	_ =	shalt  }
0x73: {  	_ =	shalt  }
0x74: {  	_ =	shalt  }
0x75: {  	_ =	shalt  }
0x76: {  	_ =	shalt  }
0x77: {  	_ =	shalt  }
0x78: {  	_ =	shalt  }
0x79: {  	_ =	shalt  }
0x7a: {  	_ =	shalt  }
0x7b: {  	_ =	shalt  }
0x7c: {  	_ =	shalt  }
0x7d: {  	_ =	shalt  }
0x7e: {  	_ =	shalt  }
0x7f: {  	_ =	shalt  }
0x80: {  	_ =	shalt  }
0x81: {  	_ =	shalt  }
0x82: {  	_ =	shalt  }
0x83: {  	_ =	shalt  }
0x84: {  	_ =	shalt  }
0x85: {  	_ =	shalt  }
0x86: {  	_ =	shalt  }
0x87: {  	_ =	shalt  }
.Lfunc_end0:
.L_simem_size_0:
called_computation_lowered:
.L_overlay_start_0:
0x88: {  	s2 =	sld [smem:$0x3FD9]  }
0x89: {  	s3 =	sld [smem:$0x3FFE];
	_ =	sdelay $0x1  }
0x8a: {  	s1 =	srdreg.scid  }
0x8b: {  	s0 =	sand.u32 $0x1, s1  }
0x8c: {  	s17 =	sshll.u32 s0, $0xA;
	s2 =	sadd.s32 s3, s2  }
0x8d: {  	s2 =	sadd.s32 s2, s17  }
0x8e: {  	[smem:$0x3FC6] =	sst s2  }
0x8f: {  	_ = 	snop  }
0x90: {  	s2 =	sld [smem:$0x3FC8]  }
0x91: {  	s18 =	sld [smem:$0x3FD0];
	(tm) =	ssettm $0x1  }
0x92: {  	s4 =	sld [smem:$0x3FFB];
	_ =	sdelay $0x3  }
0x93: {  	_ =	strace s4  }
0x94: {  	s4 =	sld [smem:$0x3FFC];
	_ =	sdelay $0x3  }
0x95: {  	_ =	strace s4  }
0x96: {  	s4 =	sld [smem:$0x3FFD];
	_ =	sdelay $0x3  }
0x97: {  	_ =	strace s4  }
0x98: {  	_ =	strace $0x8FFFFFFF  }
0x99: {  	s19 =	sld [smem:$0x3FDB];
	_ =	sdelay $0x1  }
0x9a: {  	s5 =	simm.s32 $_scs_section_size  }
0x9b: {  	s6 =	simm.s32 $_size__tile_overlayer_lowered;
	s7 =	simm.s32 $_tile_overlayer_lowered  }
0x9c: {  	s22 =	simm.s32 $0x1BFF;
	s21 =	sshll.u32 s7, $0x1;
	s4 =	sadd.s32 s5, s19  }
0x9d: {  	s8 =	simm.s32 $0x0;
	s20 =	sshll.u32 s6, $0x1;
	s6 =	sadd.s32 s21, s4  }
0x9e: {  	[timem:s8], [sflag:s22] =	dma.local [hbm:s6], s20  }
0x9f: {  	_ =	swait.ge [sflag:s22], s20  }
0xa0: {  	s5 =	ssub.s32 $0x0, s20;
	[sflag:s22] =	ssyncset.done $0x0  }
0xa1: {  	[sflag:s22] =	ssyncadd.s32 s5;
	_ =	sdelay $0x1  }
0xa2: {  	s23 =	simm.s32 $0x1B8B  }
0xa3: {  	_ =	swait.ge [sflag:s23], $0x1  }
0xa4: {  	[sflag:s23] =	ssyncset.done $0x0  }
0xa5: {  	s25 =	simm.s32 $0x1B8E;
	s24 =	sld [smem:$0x3FFE];
	[sflag:s23] =	ssyncadd.s32 $0xFFFFFFFF  }
0xa6: {  	s26 =	simm.s32 $execute0_lowered;
	[smem:$0x3FD2] =	sst s25  }
0xa7: {  	s6 =	sshll.u32 s26, $0x1;
	_ =	strace $0x80000046;
	[dreg:$0x1] =	wrdreg $0xFFFFFFFF  }
0xa8: {  	s28 =	simm.s32 $_size_execute0_lowered;
	s4 =	sadd.s32 s4, s6;
	[dreg:$0x0] =	wrdreg $0x0  }
0xa9: {  	s6 =	sshll.u32 s28, $0x1;
	[dreg:$0x2] =	wrdreg s4  }
0xaa: {  	[dreg:$0x3] =	wrdreg s6  }
0xab: {  	[dreg:$0x4] =	wrdreg $0xC0  }
0xac: {  	_ =	task [dreg:s8], $0x5FFFF  }
0xad: {  	[dreg:$0x1] =	wrdreg $0xFFFFFFFF  }
0xae: {  	[dreg:$0x0] =	wrdreg $0x60  }
0xaf: {  	[dreg:$0x2] =	wrdreg s2  }
0xb0: {  	[dreg:$0x3] =	wrdreg s24  }
0xb1: {  	[dreg:$0x4] =	wrdreg s18  }
0xb2: {  	[dreg:$0x5] =	wrdreg $0x1E4000  }
0xb3: {  	[dreg:$0x6] =	wrdreg $0x9  }
0xb4: {  	_ =	task.clear_ibuf [dreg:s8], $0x7FFFF;
	_ =	strace $0x90000046  }
0xb5: {  	s29 =	simm.s32 $0x9;
	_ =	strace $0x80000048  }
0xb6: {  	_ =	swait.ge [sflag:s29], $0x1  }
0xb7: {  	[sflag:s29] =	ssyncadd.s32 $0xFFFFFFFF  }
0xb8: {  	_ =	strace $0x90000048  }
0xb9: {  	_ =	sfence  }
0xba: {  	s30 =	sld [smem:$0x0];
	_ =	sdelay $0x2  }
0xbb: {  	s31 =	sshll.u32 s1, $0xD;
	s1 =	sshrl.u32 s1, $0x2  }
0xbc: {  	s3 =	sand.u32 $0x4000, s31;
	s1 =	sadd.s32 s1, s30  }
0xbd: {  	s0 =	sor.u32 s3, s0;
	s1 =	sshll.u32 s1, $0x11  }
0xbe: {  	s0 =	sor.u32 s1, s0  }
0xbf: {  	s0 =	sadd.s32 $0x8F2B, s0  }
0xc0: {  	[sflag:s0] =	ssyncadd.remote.s32 $0x1  }
0xc1: {  	_ =	sfence.sel $0xFFFF  }
0xc2: {  	[dreg:$0x0] =	wrdreg $0xFFFFFFFF;
	(pc) =	sbr.abs _section_cstart, $3  }
0xc3: {  	[dreg:$0x1] =	wrdreg $0xFFFFFFFF  }
0xc4: {  	_ =	task.clear_ibuf [dreg:s8], $0x2FFFF;
	_ =	strace $0x9FFFFFFF  }
0xc5: {  	(tm) =	ssettm $0x7FFFFFFF  }
tec
execute0_lowered:
.L_overlay_start_1:
0x0: {  	(tag) =	ssettag $0x1  }
0x1: {  	s0 =	srdreg.scid;
	s4 =	rddreg [dreg:$0x1]  }
0x2: {  	s1 =	stileid.u32;
	s6 =	rddreg [dreg:$0x2];
	s3 =	simm.s32 $0x0  }
0x3: {  	s16 =	simm.s32 $0x80;
	s17 =	simm.s32 $0x6400;
	s28 =	simm.s32 $0x1A400  }
0x4: {  	s29 =	simm.s32 $0x3;
	s30 =	simm.s32 $0x8;
	s31 =	simm.s32 $0xB  }
0x5: {  	s0 =	sand.u32 $0x1, s0;
	s2 =	sshll.u32 s1, $0x1;
	s22 =	smul.u32 $0xC8000, s1  }
0x6: {  	s5 =	sor.u32 s0, s2;
	s9 =	ssub.s32 $0x2, s0;
	s0 =	smul.u32 $0x64000, s0  }
0x7: {  	[smem:$0x7FF] =	sst s3;
	p0 =	sne.s32 s1, $0x0;
	s7 =	smul.u32 $0x6400, s5  }
0x8: {  	s1 =	simm.s32 $0x4;
	s2 =	rddreg [dreg:$0x3];
	s8 =	smul.u32 $0x64000, s5  }
0x9: {  	_ =	strace $0x80000047;
	s10 =	sshrl.u32 s9, $0x1;
	s18 =	smul.u32 $0x320000, s5  }
0xa: {  	s15 =	sshrl.u32 @!p0 s2, $0x3;
	s9 =	ssub.s32 s9, s10;
	s7 =	sshrl.u32 s7, $0x3  }
0xb: {  	s21 =	sshrl.u32 s18, $0x3;
	s13 =	smax.u32 s9, $0x1;
	s18 =	simm.s32 $0xA400  }
0xc: {  	s7 =	sadd.s32 s7, s4;
	s4 =	sadd.s32 s6, s8;
	s8 =	simm.s32 $0x0  }
0xd: {  	s5 =	sadd.s32 $0x400, s7;
	s19 =	sadd.s32 $0x800, s4;
	s20 =	sadd.s32 $0x1000, s4  }
0xe: {  	s23 =	sadd.s32 $0x1800, s4;
	s7 =	sadd.s32 s6, s21;
	[dreg:$0x5] =	wrdreg s19  }
0xf: {  	s6 =	sadd.s32 s22, s6;
	s22 =	simm.s32 $0x12400;
	[dreg:$0x6] =	wrdreg s20  }
0x10: {  	s21 =	simm.s32 $0x5;
	[dreg:$0x7] =	wrdreg s23;
	s24 =	sadd.s32 $0x62000, s7  }
0x11: {  	s25 =	sadd.s32 $0x62800, s7;
	s26 =	sadd.s32 $0x63000, s7;
	[dreg:$0x8] =	wrdreg s24  }
0x12: {  	s7 =	sadd.s32 $0x63800, s7;
	s0 =	sadd.s32 s0, s6;
	[dreg:$0x9] =	wrdreg s25  }
0x13: {  	s20 =	simm.s32 $0xE400;
	s23 =	simm.s32 $0xA;
	[dreg:$0xa] =	wrdreg s26  }
0x14: {  	s19 =	simm.s32 $0x7;
	s6 =	simm.s32 $0xC;
	[dreg:$0xb] =	wrdreg s7  }
0x15: {  	s14 =	sadd.s32 $0x2800, s0;
	s24 =	simm.s32 $0x16400;
	s25 =	simm.s32 $0x2  }
0x16: {  	s0 =	simm.s32 $0x9;
	s26 =	simm.s32 $0x6;
	s7 =	simm.s32 $0xD  }
.LBB2_1:
0x17: {  	s9 =	simm.s32 @p0 $0x0  }
0x18: {  	[tilespmem:s9], [sflag:$0xE] =	stream.linear.gather @p0 [hbm4b:s5+s9], $0x6400, $0x38;
	[tilespmem:$0x1EA48] =	vst v63  }
0x19: {  	s9 =	simm.s32 @p0 $0xE  }
0x1a: {  	_ =	swait.ge @p0 [sflag:s9], $0x6400  }
0x1b: {  	[sflag:s9] =	ssyncset.done @p0 $0x0  }
0x1c: {  	[sflag:s9] =	ssyncadd.s32 @p0 $0xFFFF9C00  }
0x1d: {  	s9 =	simm.s32 @!p0 $0x1C01;
	s10 =	rddreg [dreg:$0x0]  }
0x1e: {  	[spmem:s15], [sflag:s9] =	dma.local @!p0 [hbm:s10], $0xC90  }
0x1f: {  	s9 =	simm.s32 @!p0 $0x0  }
0x20: {  	[tilespmem:s9], [sflag:$0xE] =	stream.linear.gather @!p0 [hbm4b:s5+s9], $0x6400, $0x38;
	[tilespmem:$0x1EA48] =	vst v63  }
0x21: {  	s9 =	simm.s32 @!p0 $0xE  }
0x22: {  	_ =	swait.ge @!p0 [sflag:s9], $0x6400  }
0x23: {  	[sflag:s9] =	ssyncset.done @!p0 $0x0  }
0x24: {  	[sflag:s9] =	ssyncadd.s32 @!p0 $0xFFFF9C00;
	s9 =	simm.s32 @!p0 $0x1  }
0x25: {  	_ =	swait.ge @!p0 [sflag:s9], $0xC90  }
0x26: {  	[sflag:s9] =	ssyncset.done @!p0 $0x0  }
0x27: {  	[sflag:s9] =	ssyncadd.s32 @!p0 $0xFFFFF370  }
0x28: {  	[bflag:$0x0] =	sbarrier.arrive $0xFFFF  }
0x29: {  	[tilespmem:s17], [sflag:$0x2] =	stream.indirect.gather [spmem:s2], $0x80, s3, s16, $0xb8;
	[tilespmem:$0x1EA48] =	vst v63  }
0x2a: {  	_ = 	snop  }
0x2b: {  	[tilespmem:s18], [sflag:$0x3] =	stream.indirect.gather [spmem:s2], $0x80, s16, s16, $0xb8;
	[tilespmem:$0x1EA48] =	vst v63  }
0x2c: {  	s12 =	simm.s32 $0x100  }
0x2d: {  	[tilespmem:s20], [sflag:$0x4] =	stream.indirect.gather [spmem:s2], $0x80, s12, s16, $0xb8;
	[tilespmem:$0x1EA48] =	vst v63  }
0x2e: {  	s10 =	simm.s32 $0x180  }
0x2f: {  	[tilespmem:s22], [sflag:$0x5] =	stream.indirect.gather [spmem:s2], $0x80, s10, s16, $0xb8;
	[tilespmem:$0x1EA48] =	vst v63  }
0x30: {  	s11 =	simm.s32 $0x200  }
0x31: {  	[tilespmem:s24], [sflag:$0x6] =	stream.indirect.gather [spmem:s2], $0x80, s11, s16, $0xb8;
	[tilespmem:$0x1EA48] =	vst v63  }
0x32: {  	_ =	swait.ge [sflag:s25], $0x4000  }
0x33: {  	[sflag:s25] =	ssyncset.done $0x0  }
0x34: {  	[sflag:s25] =	ssyncadd.s32 $0xFFFFC000  }
0x35: {  	[hbm4b:s4+s3] =	stream.linear.scatter [tilespmem:s17], [sflag:$0x8], $0x4000, $0x38;
	[tilespmem:$0x1EA48] =	vst v63  }
0x36: {  	s12 =	simm.s32 $0x280  }
0x37: {  	[tilespmem:s28], [sflag:$0x7] =	stream.indirect.gather [spmem:s2], $0x80, s12, s16, $0xb8;
	[tilespmem:$0x1EA48] =	vst v63  }
0x38: {  	_ =	swait.ge [sflag:s29], $0x4000  }
0x39: {  	[sflag:s29] =	ssyncset.done $0x0  }
0x3a: {  	s10 =	rddreg [dreg:$0x5];
	[sflag:s29] =	ssyncadd.s32 $0xFFFFC000  }
0x3b: {  	[hbm4b:s10+s3] =	stream.linear.scatter [tilespmem:s18], [sflag:$0x9], $0x4000, $0x38;
	[tilespmem:$0x1EA48] =	vst v63  }
0x3c: {  	_ =	swait.ge [sflag:s30], $0x4000  }
0x3d: {  	[sflag:s30] =	ssyncset.done $0x0  }
0x3e: {  	s11 =	simm.s32 $0x300;
	[sflag:s30] =	ssyncadd.s32 $0xFFFFC000  }
0x3f: {  	[tilespmem:s17], [sflag:$0x2] =	stream.indirect.gather [spmem:s2], $0x80, s11, s16, $0xb8;
	[tilespmem:$0x1EA48] =	vst v63  }
0x40: {  	_ =	swait.ge [sflag:s1], $0x4000  }
0x41: {  	[sflag:s1] =	ssyncset.done $0x0  }
0x42: {  	s12 =	rddreg [dreg:$0x6];
	[sflag:s1] =	ssyncadd.s32 $0xFFFFC000  }
0x43: {  	[hbm4b:s12+s3] =	stream.linear.scatter [tilespmem:s20], [sflag:$0xA], $0x4000, $0x38;
	[tilespmem:$0x1EA48] =	vst v63  }
0x44: {  	_ =	swait.ge [sflag:s0], $0x4000  }
0x45: {  	[sflag:s0] =	ssyncset.done $0x0  }
0x46: {  	s10 =	simm.s32 $0x380;
	[sflag:s0] =	ssyncadd.s32 $0xFFFFC000  }
0x47: {  	[tilespmem:s18], [sflag:$0x3] =	stream.indirect.gather [spmem:s2], $0x80, s10, s16, $0xb8;
	[tilespmem:$0x1EA48] =	vst v63  }
0x48: {  	_ =	swait.ge [sflag:s21], $0x4000  }
0x49: {  	[sflag:s21] =	ssyncset.done $0x0  }
0x4a: {  	s11 =	rddreg [dreg:$0x7];
	[sflag:s21] =	ssyncadd.s32 $0xFFFFC000  }
0x4b: {  	[hbm4b:s11+s3] =	stream.linear.scatter [tilespmem:s22], [sflag:$0xB], $0x4000, $0x38;
	[tilespmem:$0x1EA48] =	vst v63  }
0x4c: {  	_ =	swait.ge [sflag:s23], $0x4000  }
0x4d: {  	[sflag:s23] =	ssyncset.done $0x0  }
0x4e: {  	s12 =	simm.s32 $0x400;
	[sflag:s23] =	ssyncadd.s32 $0xFFFFC000  }
0x4f: {  	[tilespmem:s20], [sflag:$0x4] =	stream.indirect.gather [spmem:s2], $0x80, s12, s16, $0xb8;
	[tilespmem:$0x1EA48] =	vst v63  }
0x50: {  	_ =	swait.ge [sflag:s26], $0x4000  }
0x51: {  	[sflag:s26] =	ssyncset.done $0x0  }
0x52: {  	s10 =	sadd.s32 $0xFFFFF800, s14;
	[sflag:s26] =	ssyncadd.s32 $0xFFFFC000  }
0x53: {  	[hbm4b:s10+s3] =	stream.linear.scatter [tilespmem:s24], [sflag:$0xC], $0x4000, $0x38;
	[tilespmem:$0x1EA48] =	vst v63  }
0x54: {  	_ =	swait.ge [sflag:s31], $0x4000  }
0x55: {  	[sflag:s31] =	ssyncset.done $0x0  }
0x56: {  	s11 =	simm.s32 $0x480;
	[sflag:s31] =	ssyncadd.s32 $0xFFFFC000  }
0x57: {  	[tilespmem:s22], [sflag:$0x5] =	stream.indirect.gather [spmem:s2], $0x80, s11, s16, $0xb8;
	[tilespmem:$0x1EA48] =	vst v63  }
0x58: {  	_ =	swait.ge [sflag:s19], $0x4000  }
0x59: {  	[sflag:s19] =	ssyncset.done $0x0  }
0x5a: {  	[sflag:s19] =	ssyncadd.s32 $0xFFFFC000  }
0x5b: {  	[hbm4b:s14+s3] =	stream.linear.scatter [tilespmem:s28], [sflag:$0xD], $0x4000, $0x38;
	[tilespmem:$0x1EA48] =	vst v63  }
0x5c: {  	_ =	swait.ge [sflag:s6], $0x4000  }
0x5d: {  	[sflag:s6] =	ssyncset.done $0x0  }
0x5e: {  	s12 =	simm.s32 $0x500;
	[sflag:s6] =	ssyncadd.s32 $0xFFFFC000  }
0x5f: {  	[tilespmem:s24], [sflag:$0x6] =	stream.indirect.gather [spmem:s2], $0x80, s12, s16, $0xb8;
	[tilespmem:$0x1EA48] =	vst v63  }
0x60: {  	_ =	swait.ge [sflag:s25], $0x4000  }
0x61: {  	[sflag:s25] =	ssyncset.done $0x0  }
0x62: {  	s10 =	sadd.s32 $0x800, s14;
	[sflag:s25] =	ssyncadd.s32 $0xFFFFC000  }
0x63: {  	[hbm4b:s10+s3] =	stream.linear.scatter [tilespmem:s17], [sflag:$0x8], $0x4000, $0x38;
	[tilespmem:$0x1EA48] =	vst v63  }
0x64: {  	_ =	swait.ge [sflag:s7], $0x4000  }
0x65: {  	[sflag:s7] =	ssyncset.done $0x0  }
0x66: {  	s11 =	simm.s32 $0x580;
	[sflag:s7] =	ssyncadd.s32 $0xFFFFC000  }
0x67: {  	[tilespmem:s28], [sflag:$0x7] =	stream.indirect.gather [spmem:s2], $0x80, s11, s16, $0xb8;
	[tilespmem:$0x1EA48] =	vst v63  }
0x68: {  	_ =	swait.ge [sflag:s29], $0x4000  }
0x69: {  	[sflag:s29] =	ssyncset.done $0x0  }
0x6a: {  	s12 =	sadd.s32 $0x1000, s14;
	[sflag:s29] =	ssyncadd.s32 $0xFFFFC000  }
0x6b: {  	[hbm4b:s12+s3] =	stream.linear.scatter [tilespmem:s18], [sflag:$0x9], $0x4000, $0x38;
	[tilespmem:$0x1EA48] =	vst v63  }
0x6c: {  	_ =	swait.ge [sflag:s30], $0x4000  }
0x6d: {  	[sflag:s30] =	ssyncset.done $0x0  }
0x6e: {  	s10 =	simm.s32 $0x600;
	[sflag:s30] =	ssyncadd.s32 $0xFFFFC000  }
0x6f: {  	[tilespmem:s17], [sflag:$0x2] =	stream.indirect.gather [spmem:s2], $0x80, s10, s16, $0xb8;
	[tilespmem:$0x1EA48] =	vst v63  }
0x70: {  	_ =	swait.ge [sflag:s1], $0x4000  }
0x71: {  	[sflag:s1] =	ssyncset.done $0x0  }
0x72: {  	s11 =	sadd.s32 $0x1800, s14;
	[sflag:s1] =	ssyncadd.s32 $0xFFFFC000  }
0x73: {  	[hbm4b:s11+s3] =	stream.linear.scatter [tilespmem:s20], [sflag:$0xA], $0x4000, $0x38;
	[tilespmem:$0x1EA48] =	vst v63  }
0x74: {  	_ =	swait.ge [sflag:s0], $0x4000  }
0x75: {  	[sflag:s0] =	ssyncset.done $0x0  }
0x76: {  	s12 =	simm.s32 $0x680;
	[sflag:s0] =	ssyncadd.s32 $0xFFFFC000  }
0x77: {  	[tilespmem:s18], [sflag:$0x3] =	stream.indirect.gather [spmem:s2], $0x80, s12, s16, $0xb8;
	[tilespmem:$0x1EA48] =	vst v63  }
0x78: {  	_ =	swait.ge [sflag:s21], $0x4000  }
0x79: {  	s9 =	simm.s32 $0xC00;
	[sflag:s21] =	ssyncset.done $0x0  }
0x7a: {  	s10 =	sadd.s32 $0x3000, s14;
	s11 =	sadd.s32 $0x2000, s14;
	[sflag:s21] =	ssyncadd.s32 $0xFFFFC000  }
.LBB2_2:
0x7b: {  	[hbm4b:s11+s3] =	stream.linear.scatter [tilespmem:s22], [sflag:$0xB], $0x4000, $0x38;
	[tilespmem:$0x1EA48] =	vst v63  }
0x7c: {  	s11 =	smov.u32 s9  }
0x7d: {  	p1 =	sne.s32 s9, $0x17400;
	s9 =	sadd.s32 $0xC00, s9;
	_ =	swait.ge [sflag:s23], $0x4000  }
0x7e: {  	s11 =	sshra.s32 s11, $0x2;
	[sflag:s23] =	ssyncset.done $0x0  }
0x7f: {  	s12 =	sadd.s32 $0x400, s11;
	[sflag:s23] =	ssyncadd.s32 $0xFFFFC000  }
0x80: {  	[tilespmem:s20], [sflag:$0x4] =	stream.indirect.gather [spmem:s2], $0x80, s12, s16, $0xb8;
	[tilespmem:$0x1EA48] =	vst v63  }
0x81: {  	_ =	swait.ge [sflag:s26], $0x4000  }
0x82: {  	[sflag:s26] =	ssyncset.done $0x0  }
0x83: {  	s12 =	sadd.s32 $0xFFFFF800, s10;
	[sflag:s26] =	ssyncadd.s32 $0xFFFFC000  }
0x84: {  	[hbm4b:s12+s3] =	stream.linear.scatter [tilespmem:s24], [sflag:$0xC], $0x4000, $0x38;
	[tilespmem:$0x1EA48] =	vst v63  }
0x85: {  	_ =	swait.ge [sflag:s31], $0x4000  }
0x86: {  	[sflag:s31] =	ssyncset.done $0x0  }
0x87: {  	s12 =	sadd.s32 $0x480, s11;
	[sflag:s31] =	ssyncadd.s32 $0xFFFFC000  }
0x88: {  	[tilespmem:s22], [sflag:$0x5] =	stream.indirect.gather [spmem:s2], $0x80, s12, s16, $0xb8;
	[tilespmem:$0x1EA48] =	vst v63  }
0x89: {  	_ =	swait.ge [sflag:s19], $0x4000  }
0x8a: {  	[sflag:s19] =	ssyncset.done $0x0  }
0x8b: {  	[sflag:s19] =	ssyncadd.s32 $0xFFFFC000  }
0x8c: {  	[hbm4b:s10+s3] =	stream.linear.scatter [tilespmem:s28], [sflag:$0xD], $0x4000, $0x38;
	[tilespmem:$0x1EA48] =	vst v63  }
0x8d: {  	_ =	swait.ge [sflag:s6], $0x4000  }
0x8e: {  	[sflag:s6] =	ssyncset.done $0x0  }
0x8f: {  	s12 =	sadd.s32 $0x500, s11;
	[sflag:s6] =	ssyncadd.s32 $0xFFFFC000  }
0x90: {  	[tilespmem:s24], [sflag:$0x6] =	stream.indirect.gather [spmem:s2], $0x80, s12, s16, $0xb8;
	[tilespmem:$0x1EA48] =	vst v63  }
0x91: {  	_ =	swait.ge [sflag:s25], $0x4000  }
0x92: {  	[sflag:s25] =	ssyncset.done $0x0  }
0x93: {  	s12 =	sadd.s32 $0x800, s10;
	[sflag:s25] =	ssyncadd.s32 $0xFFFFC000  }
0x94: {  	[hbm4b:s12+s3] =	stream.linear.scatter [tilespmem:s17], [sflag:$0x8], $0x4000, $0x38;
	[tilespmem:$0x1EA48] =	vst v63  }
0x95: {  	_ =	swait.ge [sflag:s7], $0x4000  }
0x96: {  	[sflag:s7] =	ssyncset.done $0x0  }
0x97: {  	s12 =	sadd.s32 $0x580, s11;
	[sflag:s7] =	ssyncadd.s32 $0xFFFFC000  }
0x98: {  	[tilespmem:s28], [sflag:$0x7] =	stream.indirect.gather [spmem:s2], $0x80, s12, s16, $0xb8;
	[tilespmem:$0x1EA48] =	vst v63  }
0x99: {  	_ =	swait.ge [sflag:s29], $0x4000  }
0x9a: {  	[sflag:s29] =	ssyncset.done $0x0  }
0x9b: {  	s12 =	sadd.s32 $0x1000, s10;
	[sflag:s29] =	ssyncadd.s32 $0xFFFFC000  }
0x9c: {  	[hbm4b:s12+s3] =	stream.linear.scatter [tilespmem:s18], [sflag:$0x9], $0x4000, $0x38;
	[tilespmem:$0x1EA48] =	vst v63  }
0x9d: {  	_ =	swait.ge [sflag:s30], $0x4000  }
0x9e: {  	[sflag:s30] =	ssyncset.done $0x0  }
0x9f: {  	s12 =	sadd.s32 $0x600, s11;
	[sflag:s30] =	ssyncadd.s32 $0xFFFFC000  }
0xa0: {  	[tilespmem:s17], [sflag:$0x2] =	stream.indirect.gather [spmem:s2], $0x80, s12, s16, $0xb8;
	[tilespmem:$0x1EA48] =	vst v63  }
0xa1: {  	_ =	swait.ge [sflag:s1], $0x4000  }
0xa2: {  	[sflag:s1] =	ssyncset.done $0x0  }
0xa3: {  	s12 =	sadd.s32 $0x1800, s10;
	[sflag:s1] =	ssyncadd.s32 $0xFFFFC000  }
0xa4: {  	[hbm4b:s12+s3] =	stream.linear.scatter [tilespmem:s20], [sflag:$0xA], $0x4000, $0x38;
	[tilespmem:$0x1EA48] =	vst v63  }
0xa5: {  	_ =	swait.ge [sflag:s0], $0x4000  }
0xa6: {  	[sflag:s0] =	ssyncset.done $0x0  }
.Ltmp0:
0xa7: {  	s11 =	sadd.s32 $0x680, s11;
	[sflag:s0] =	ssyncadd.s32 $0xFFFFC000;
	(pc) =	sbr.rel @p1 .LBB2_2-.Ltmp0, $4  }
0xa8: {  	[tilespmem:s18], [sflag:$0x3] =	stream.indirect.gather [spmem:s2], $0x80, s11, s16, $0xb8;
	[tilespmem:$0x1EA48] =	vst v63  }
0xa9: {  	_ =	swait.ge [sflag:s21], $0x4000  }
0xaa: {  	[sflag:s21] =	ssyncset.done $0x0  }
0xab: {  	s11 =	sadd.s32 $0x2000, s10;
	s10 =	sadd.s32 $0x3000, s10;
	[sflag:s21] =	ssyncadd.s32 $0xFFFFC000  }
0xac: {  	[hbm4b:s11+s3] =	stream.linear.scatter [tilespmem:s22], [sflag:$0xB], $0x4000, $0x38;
	[tilespmem:$0x1EA48] =	vst v63  }
0xad: {  	_ =	swait.ge [sflag:s23], $0x4000  }
0xae: {  	[sflag:s23] =	ssyncset.done $0x0  }
0xaf: {  	[sflag:s23] =	ssyncadd.s32 $0xFFFFC000  }
0xb0: {  	_ =	swait.ge [sflag:s26], $0x4000  }
0xb1: {  	[sflag:s26] =	ssyncset.done $0x0  }
0xb2: {  	s9 =	rddreg [dreg:$0x8];
	[sflag:s26] =	ssyncadd.s32 $0xFFFFC000  }
0xb3: {  	[hbm4b:s9+s3] =	stream.linear.scatter [tilespmem:s24], [sflag:$0xC], $0x4000, $0x38;
	[tilespmem:$0x1EA48] =	vst v63  }
0xb4: {  	_ =	swait.ge [sflag:s31], $0x4000  }
0xb5: {  	[sflag:s31] =	ssyncset.done $0x0  }
0xb6: {  	[sflag:s31] =	ssyncadd.s32 $0xFFFFC000  }
0xb7: {  	_ =	swait.ge [sflag:s19], $0x4000  }
0xb8: {  	[sflag:s19] =	ssyncset.done $0x0  }
0xb9: {  	s10 =	rddreg [dreg:$0x9];
	[sflag:s19] =	ssyncadd.s32 $0xFFFFC000  }
0xba: {  	[hbm4b:s10+s3] =	stream.linear.scatter [tilespmem:s28], [sflag:$0xD], $0x4000, $0x38;
	[tilespmem:$0x1EA48] =	vst v63  }
0xbb: {  	_ =	swait.ge [sflag:s6], $0x4000  }
0xbc: {  	[sflag:s6] =	ssyncset.done $0x0  }
0xbd: {  	[sflag:s6] =	ssyncadd.s32 $0xFFFFC000  }
0xbe: {  	_ =	swait.ge [sflag:s25], $0x4000  }
0xbf: {  	[sflag:s25] =	ssyncset.done $0x0  }
0xc0: {  	s11 =	rddreg [dreg:$0xa];
	[sflag:s25] =	ssyncadd.s32 $0xFFFFC000  }
0xc1: {  	[hbm4b:s11+s3] =	stream.linear.scatter [tilespmem:s17], [sflag:$0x8], $0x4000, $0x38;
	[tilespmem:$0x1EA48] =	vst v63  }
0xc2: {  	_ =	swait.ge [sflag:s7], $0x4000  }
0xc3: {  	[sflag:s7] =	ssyncset.done $0x0  }
0xc4: {  	[sflag:s7] =	ssyncadd.s32 $0xFFFFC000  }
0xc5: {  	_ =	swait.ge [sflag:s29], $0x4000  }
0xc6: {  	[sflag:s29] =	ssyncset.done $0x0  }
0xc7: {  	s8 =	sadd.s32 $0x1, s8;
	s12 =	rddreg [dreg:$0xb];
	[sflag:s29] =	ssyncadd.s32 $0xFFFFC000  }
0xc8: {  	[hbm4b:s12+s3] =	stream.linear.scatter [tilespmem:s18], [sflag:$0x9], $0x4000, $0x38;
	[tilespmem:$0x1EA48] =	vst v63  }
0xc9: {  	p1 =	sne.s32 s8, s13;
	_ =	swait.ge [sflag:s30], $0x4000  }
.Ltmp1:
0xca: {  	[sflag:s30] =	ssyncset.done $0x0;
	(pc) =	sbr.rel @p1 .LBB2_1-.Ltmp1, $4  }
0xcb: {  	[sflag:s30] =	ssyncadd.s32 $0xFFFFC000  }
0xcc: {  	_ =	swait.ge [sflag:s0], $0x4000  }
0xcd: {  	[sflag:s0] =	ssyncset.done $0x0  }
0xce: {  	[sflag:s0] =	ssyncadd.s32 $0xFFFFC000  }
0xcf: {  	_ =	sfence.sel $0x180000  }
0xd0: {  	[bflag:$0x0] =	sbarrier.arrive $0xFFFF  }
0xd1: {  	_ =	strace $0x90000047  }
0xd2: {  	[bflag:$0x2] =	sbarrier.arrive $0xFFFF  }
0xd3: {  	s0 =	rddreg [dreg:$0x4]  }
0xd4: {  	s0 =	sadd.s32 @!p0 $0x100000, s0  }
0xd5: {  	[sflag:s0] =	ssyncadd.tile.s32 @!p0 $0x1;
	_ =	shalt  }
.Lfunc_end2:
_tile_overlayer_lowered:
.L_overlay_start_2:
0xd6: {  	(tag) =	ssettag $0x2  }
0xd7: {  	s0 =	rddreg [dreg:$0x0];
	s2 =	stileid.u32  }
0xd8: {  	s1 =	rddreg [dreg:$0x1];
	p0 =	sne.s32 s2, $0x0  }
0xd9: {  	s3 =	rddreg [dreg:$0x2];
	[bflag:$0x3] =	sbarrier.arrive $0xFFFF;
	s2 =	simm.s32 @!p0 $0x1C0E  }
0xda: {  	[timem:s3], [sflag:s2] =	dma.local @!p0 [hbm:s0], s1  }
0xdb: {  	s0 =	simm.s32 @!p0 $0xE  }
0xdc: {  	_ =	swait.ge @!p0 [sflag:s0], s1  }
0xdd: {  	s1 =	ssub.s32 @!p0 $0x0, s1;
	[sflag:s0] =	ssyncset.done @!p0 $0x0  }
0xde: {  	[sflag:s0] =	ssyncadd.s32 @!p0 s1  }
0xdf: {  	[bflag:$0x3] =	sbarrier.arrive $0xFFFF  }
0xe0: {  	_ =	shalt  }

</sc_bundles>
